<compile_context>
chip_gen: v7x
topology: tpu7x:2x2x1
jax: 0.10.2.dev20260603
libtpu: 0.0.44.dev20260713+nightly
codegen_flags: <defaults>
</compile_context>

<pallas_src>
import jax
import jax.numpy as jnp
from jax.experimental import pallas as pl
from jax.experimental.pallas import tpu as pltpu

_MARGIN = 0.8
_BLK = 512
_BIG = 1e30


def _triplet_kernel(a_ref, e_ref, key_ref, sbj_ref, sum_ref, cnt_ref):
    i = pl.program_id(0)
    a = a_ref[...]
    e = e_ref[...]
    B = e.shape[0]
    blk = a.shape[0]

    sq_blk = jnp.sum(a * a, axis=1, keepdims=True)
    sq_all = jnp.sum(e * e, axis=1, keepdims=True)
    a_aug = jnp.concatenate(
        [a, sq_blk, jnp.ones((blk, 1), jnp.float32)], axis=1)
    e_aug = jnp.concatenate(
        [-2.0 * e, jnp.ones((B, 1), jnp.float32), sq_all], axis=1)
    d2 = jax.lax.dot_general(
        a_aug, e_aug, (((1,), (1,)), ((), ())),
        preferred_element_type=jnp.float32)

    key = key_ref[0, :]
    sbj = sbj_ref[0, :]
    key_r = key_ref[0, pl.ds(i * blk, blk)]
    sbj_r = sbj_ref[0, pl.ds(i * blk, blk)]

    key_eq = key_r[:, None] == key[None, :]
    sbj_eq = sbj_r[:, None] == sbj[None, :]
    row = i * blk + jax.lax.broadcasted_iota(jnp.int32, (blk, B), 0)
    col = jax.lax.broadcasted_iota(jnp.int32, (blk, B), 1)
    pos = key_eq & (row != col)
    neg = sbj_eq & jnp.logical_not(key_eq)

    dpos2 = jnp.max(jnp.where(pos, d2, -1.0), axis=1)
    dneg2 = jnp.min(jnp.where(neg, d2, _BIG), axis=1)
    valid = (dpos2 >= 0.0) & (dneg2 < 1e29)

    dp = jnp.sqrt(jnp.maximum(dpos2, 0.0))
    dn = jnp.sqrt(jnp.maximum(dneg2, 0.0))
    per = jnp.maximum(dp - dn + _MARGIN, 0.0)
    psum = jnp.sum(jnp.where(valid, per, 0.0))
    pcnt = jnp.sum(valid.astype(jnp.float32))

    @pl.when(i == 0)
    def _():
        sum_ref[...] = jnp.zeros((1, 1), jnp.float32)
        cnt_ref[...] = jnp.zeros((1, 1), jnp.float32)

    sum_ref[...] += psum.reshape(1, 1)
    cnt_ref[...] += pcnt.reshape(1, 1)


def kernel(emb, labels, sbj):
    B, D = emb.shape
    lbl32 = labels.astype(jnp.int32)
    sbj32 = sbj.astype(jnp.int32)
    perm = jnp.argsort(sbj32).astype(jnp.int32)
    emb = jnp.take(emb, perm, axis=0)
    key2 = jnp.take(sbj32 * 8 + lbl32, perm).reshape(1, B)
    sbj2 = jnp.take(sbj32, perm).reshape(1, B)
    grid = B // _BLK
    s, c = pl.pallas_call(
        _triplet_kernel,
        grid=(grid,),
        in_specs=[
            pl.BlockSpec((_BLK, D), lambda i: (i, 0)),
            pl.BlockSpec((B, D), lambda i: (0, 0)),
            pl.BlockSpec((1, B), lambda i: (0, 0)),
            pl.BlockSpec((1, B), lambda i: (0, 0)),
        ],
        out_specs=[
            pl.BlockSpec((1, 1), lambda i: (0, 0)),
            pl.BlockSpec((1, 1), lambda i: (0, 0)),
        ],
        out_shape=[
            jax.ShapeDtypeStruct((1, 1), jnp.float32),
            jax.ShapeDtypeStruct((1, 1), jnp.float32),
        ],
    )(emb, emb, key2, sbj2)
    return s[0, 0] / jnp.maximum(c[0, 0], 1.0)

# --- scband reference (transcript-rebuilt; emitter-appended) ---
"""Pipeline reference for scband-within-subject-triplet-loss-18751827214370 (READ-ONLY COPY).

The authoritative reference and input builder live on the scoring server;
editing this copy changes nothing except your own understanding.
"""

import jax, jax.numpy as jnp
import numpy as np

MARGIN = 0.8
EPS = 1e-6


def setup_inputs(seed: int = 0) -> dict:
    key = jax.random.key(seed)
    k1, k2, k3 = jax.random.split(key, 3)
    B, D = 4096, 128
    emb = jax.random.normal(k1, (B, D), dtype=jnp.float32)
    labels = jax.random.randint(k2, (B,), 0, 8, dtype=jnp.int64)
    sbj = jax.random.randint(k3, (B,), 0, 32, dtype=jnp.int64)
    return {"emb": emb, "labels": labels, "sbj": sbj}


def _cdist(x):
    # Euclidean pairwise distances via the Gram trick (memory-safe torch.cdist equivalent)
    sq = jnp.sum(x * x, axis=1)
    d2 = sq[:, None] + sq[None, :] - 2.0 * (x @ x.T)
    return jnp.sqrt(jnp.clip(d2, 0.0, None))


def reference(emb, labels, sbj):
    B = emb.shape[0]
    D = _cdist(emb)
    same_sbj = sbj[:, None] == sbj[None, :]
    same_lbl = labels[:, None] == labels[None, :]
    eye = jnp.eye(B, dtype=bool)
    # positive candidates: same subject, same label, not self
    pos_mask = same_sbj & same_lbl & (~eye)
    # negative candidates: same subject, different label
    neg_mask = same_sbj & (~same_lbl)
    # anchor valid iff it has >=1 positive and >=1 negative within its subject
    # (this also implies the subject has >=3 samples and >=2 unique labels,
    #  matching the per-subject skip conditions in the torch code)
    valid = jnp.any(pos_mask, axis=1) & jnp.any(neg_mask, axis=1)
    # hardest positive (max dist among positives), hardest negative (min dist among negatives)
    pos_idx = jnp.argmax(jnp.where(pos_mask, D, -jnp.inf), axis=1)
    neg_idx = jnp.argmin(jnp.where(neg_mask, D, jnp.inf), axis=1)
    a = emb
    p = jnp.take(emb, pos_idx, axis=0)
    n = jnp.take(emb, neg_idx, axis=0)
    # torch.nn.TripletMarginLoss(margin=0.8, p=2, reduction='mean'):
    # F.pairwise_distance adds eps=1e-6 to the difference before the norm
    dp = jnp.linalg.norm(a - p + EPS, ord=2, axis=-1)
    dn = jnp.linalg.norm(a - n + EPS, ord=2, axis=-1)
    per = jnp.maximum(dp - dn + MARGIN, 0.0)
    n_valid = jnp.sum(valid.astype(jnp.float32))
    loss = jnp.sum(jnp.where(valid, per, 0.0)) / jnp.maximum(n_valid, 1.0)
    return loss

if __name__ == "__main__":
    import jax
    _d = setup_inputs()
    print(jax.jit(kernel)(*tuple(_d.values())))

</pallas_src>

<mosaic_0001>
module attributes {stable_mosaic.version = 14 : i64} {
  func.func @_triplet_kernel(%arg0: i32, %arg1: memref<512x128xf32, #tpu.memory_space<vmem>>, %arg2: memref<4096x128xf32, #tpu.memory_space<vmem>>, %arg3: memref<1x4096xi32, #tpu.memory_space<vmem>>, %arg4: memref<1x4096xi32, #tpu.memory_space<vmem>>, %arg5: memref<1x1xf32, #tpu.memory_space<vmem>>, %arg6: memref<1x1xf32, #tpu.memory_space<vmem>>) attributes {dimension_semantics = [#tpu.dimension_semantics<arbitrary>], iteration_bounds = array<i64: 8>, scalar_prefetch = 0 : i64, scratch_operands = 0 : i64, tpu.core_type = #tpu.core_type<tc>, window_params = [{transform_indices = @transform_0, window_bounds = array<i64: 512, 128>}, {pipeline_mode = #tpu.pipeline_mode<synchronous>, transform_indices = @transform_1, window_bounds = array<i64: 4096, 128>}, {pipeline_mode = #tpu.pipeline_mode<synchronous>, transform_indices = @transform_2, window_bounds = array<i64: 1, 4096>}, {pipeline_mode = #tpu.pipeline_mode<synchronous>, transform_indices = @transform_3, window_bounds = array<i64: 1, 4096>}, {pipeline_mode = #tpu.pipeline_mode<synchronous>, transform_indices = @transform_4, window_bounds = array<i64: 1, 1>}, {pipeline_mode = #tpu.pipeline_mode<synchronous>, transform_indices = @transform_5, window_bounds = array<i64: 1, 1>}]} {
    %get3A = arith.constant 0 : index
    %get3A_0 = arith.constant 0 : index
    %get3A_1 = vector.load %arg1[%get3A, %get3A_0] : memref<512x128xf32, #tpu.memory_space<vmem>>, vector<512x128xf32>
    %get3A_2 = arith.constant 0 : index
    %get3A_3 = arith.constant 0 : index
    %get3A_4 = vector.load %arg2[%get3A_2, %get3A_3] : memref<4096x128xf32, #tpu.memory_space<vmem>>, vector<4096x128xf32>
    %mul3A = arith.mulf %get3A_1, %get3A_1 : vector<512x128xf32>
    %reduce_sum3A = arith.constant dense<0.000000e+00> : vector<512xf32>
    %reduce_sum3A_5 = vector.multi_reduction <add>, %mul3A, %reduce_sum3A [1] : vector<512x128xf32> to vector<512xf32>
    %broadcast_in_dim3A = vector.shape_cast %reduce_sum3A_5 : vector<512xf32> to vector<512x1xf32>
    %mul3A_6 = arith.mulf %get3A_4, %get3A_4 : vector<4096x128xf32>
    %reduce_sum3A_7 = arith.constant dense<0.000000e+00> : vector<4096xf32>
    %reduce_sum3A_8 = vector.multi_reduction <add>, %mul3A_6, %reduce_sum3A_7 [1] : vector<4096x128xf32> to vector<4096xf32>
    %broadcast_in_dim3A_9 = vector.shape_cast %reduce_sum3A_8 : vector<4096xf32> to vector<4096x1xf32>
    %broadcast_in_dim3A_10 = arith.constant 1.000000e+00 : f32
    %broadcast_in_dim3A_11 = vector.broadcast %broadcast_in_dim3A_10 : f32 to vector<512x1xf32>
    %concatenate3A = tpu.concatenate %get3A_1, %broadcast_in_dim3A, %broadcast_in_dim3A_11 in 1 : vector<512x128xf32>, vector<512x1xf32>, vector<512x1xf32> -> vector<512x130xf32>
    %mul3A_12 = arith.constant -2.000000e+00 : f32
    %mul3A_13 = vector.broadcast %mul3A_12 : f32 to vector<4096x128xf32>
    %mul3A_14 = arith.mulf %mul3A_13, %get3A_4 : vector<4096x128xf32>
    %broadcast_in_dim3A_15 = arith.constant 1.000000e+00 : f32
    %broadcast_in_dim3A_16 = vector.broadcast %broadcast_in_dim3A_15 : f32 to vector<4096x1xf32>
    %concatenate3A_17 = tpu.concatenate %mul3A_14, %broadcast_in_dim3A_16, %broadcast_in_dim3A_9 in 1 : vector<4096x128xf32>, vector<4096x1xf32>, vector<4096x1xf32> -> vector<4096x130xf32>
    %dot_general3A = arith.constant dense<0.000000e+00> : vector<512x4096xf32>
    %dot_general3A_18 = tpu.matmul %concatenate3A, %concatenate3A_17, %dot_general3A {dimension_numbers = #tpu.dot_dimension_numbers<[1], [1], [0], [0], [0, 0, 1, 0], [], []>, transpose_lhs_hint = false} : vector<512x130xf32>, vector<4096x130xf32>, vector<512x4096xf32> -> vector<512x4096xf32>
    %get3A_19 = arith.constant 0 : index
    %get3A_20 = arith.constant 0 : index
    %get3A_21 = vector.load %arg3[%get3A_19, %get3A_20] : memref<1x4096xi32, #tpu.memory_space<vmem>>, vector<1x4096xi32>
    %get3A_22 = vector.shape_cast %get3A_21 : vector<1x4096xi32> to vector<4096xi32>
    %get3A_23 = arith.constant 0 : index
    %get3A_24 = arith.constant 0 : index
    %get3A_25 = vector.load %arg4[%get3A_23, %get3A_24] : memref<1x4096xi32, #tpu.memory_space<vmem>>, vector<1x4096xi32>
    %get3A_26 = vector.shape_cast %get3A_25 : vector<1x4096xi32> to vector<4096xi32>
    %mul3A_27 = arith.constant 512 : i32
    %mul3A_28 = arith.muli %arg0, %mul3A_27 : i32
    %get3A_29 = arith.constant 0 : index
    %get3A_30 = arith.index_cast %mul3A_28 : i32 to index
    %get3A_31 = vector.load %arg3[%get3A_29, %get3A_30] : memref<1x4096xi32, #tpu.memory_space<vmem>>, vector<1x512xi32>
    %get3A_32 = vector.shape_cast %get3A_31 : vector<1x512xi32> to vector<512xi32>
    %mul3A_33 = arith.constant 512 : i32
    %mul3A_34 = arith.muli %arg0, %mul3A_33 : i32
    %get3A_35 = arith.constant 0 : index
    %get3A_36 = arith.index_cast %mul3A_34 : i32 to index
    %get3A_37 = vector.load %arg4[%get3A_35, %get3A_36] : memref<1x4096xi32, #tpu.memory_space<vmem>>, vector<1x512xi32>
    %get3A_38 = vector.shape_cast %get3A_37 : vector<1x512xi32> to vector<512xi32>
    %broadcast_in_dim3A_39 = vector.shape_cast %get3A_32 : vector<512xi32> to vector<512x1xi32>
    %broadcast_in_dim3A_40 = vector.shape_cast %get3A_22 : vector<4096xi32> to vector<1x4096xi32>
    %eq3A = vector.broadcast %broadcast_in_dim3A_39 : vector<512x1xi32> to vector<512x4096xi32>
    %eq3A_41 = vector.broadcast %broadcast_in_dim3A_40 : vector<1x4096xi32> to vector<512x4096xi32>
    %eq3A_42 = arith.cmpi eq, %eq3A, %eq3A_41 : vector<512x4096xi32>
    %broadcast_in_dim3A_43 = vector.shape_cast %get3A_38 : vector<512xi32> to vector<512x1xi32>
    %broadcast_in_dim3A_44 = vector.shape_cast %get3A_26 : vector<4096xi32> to vector<1x4096xi32>
    %eq3A_45 = vector.broadcast %broadcast_in_dim3A_43 : vector<512x1xi32> to vector<512x4096xi32>
    %eq3A_46 = vector.broadcast %broadcast_in_dim3A_44 : vector<1x4096xi32> to vector<512x4096xi32>
    %eq3A_47 = arith.cmpi eq, %eq3A_45, %eq3A_46 : vector<512x4096xi32>
    %mul3A_48 = arith.constant 512 : i32
    %mul3A_49 = arith.muli %arg0, %mul3A_48 : i32
    %iota3A = tpu.iota {dimensions = array<i32: 0>} : vector<512x4096xi32>
    %add3A = vector.broadcast %mul3A_49 : i32 to vector<512x4096xi32>
    %add3A_50 = arith.addi %add3A, %iota3A : vector<512x4096xi32>
    %iota3A_51 = tpu.iota {dimensions = array<i32: 1>} : vector<512x4096xi32>
    %ne3A = arith.cmpi ne, %add3A_50, %iota3A_51 : vector<512x4096xi32>
    %and3A = arith.andi %eq3A_42, %ne3A : vector<512x4096xi1>
    %not3A = arith.constant dense<true> : vector<512x4096xi1>
    %not3A_52 = arith.xori %eq3A_42, %not3A : vector<512x4096xi1>
    %and3A_53 = arith.andi %eq3A_47, %not3A_52 : vector<512x4096xi1>
    %jit3A = arith.constant -1.000000e+00 : f32
    %broadcast_in_dim3A_54 = vector.broadcast %jit3A : f32 to vector<512x4096xf32>
    %select_n3A = arith.select %and3A, %dot_general3A_18, %broadcast_in_dim3A_54 : vector<512x4096xi1>, vector<512x4096xf32>
    %reduce_max3A = arith.constant dense<0xFF800000> : vector<512xf32>
    %reduce_max3A_55 = vector.multi_reduction <maximumf>, %select_n3A, %reduce_max3A [1] : vector<512x4096xf32> to vector<512xf32>
    %jit3A_56 = arith.constant 1.000000e+30 : f32
    %broadcast_in_dim3A_57 = vector.broadcast %jit3A_56 : f32 to vector<512x4096xf32>
    %select_n3A_58 = arith.select %and3A_53, %dot_general3A_18, %broadcast_in_dim3A_57 : vector<512x4096xi1>, vector<512x4096xf32>
    %reduce_min3A = arith.constant dense<0x7F800000> : vector<512xf32>
    %reduce_min3A_59 = vector.multi_reduction <minimumf>, %select_n3A_58, %reduce_min3A [1] : vector<512x4096xf32> to vector<512xf32>
    %ge3A = arith.constant 0.000000e+00 : f32
    %ge3A_60 = vector.broadcast %ge3A : f32 to vector<512xf32>
    %ge3A_61 = arith.cmpf oge, %reduce_max3A_55, %ge3A_60 : vector<512xf32>
    %lt3A = arith.constant 1.000000e+29 : f32
    %lt3A_62 = vector.broadcast %lt3A : f32 to vector<512xf32>
    %lt3A_63 = arith.cmpf olt, %reduce_min3A_59, %lt3A_62 : vector<512xf32>
    %and3A_64 = arith.andi %ge3A_61, %lt3A_63 : vector<512xi1>
    %max3A = arith.constant 0.000000e+00 : f32
    %max3A_65 = vector.broadcast %max3A : f32 to vector<512xf32>
    %max3A_66 = arith.maximumf %reduce_max3A_55, %max3A_65 : vector<512xf32>
    %sqrt3A = math.sqrt %max3A_66 : vector<512xf32>
    %max3A_67 = arith.constant 0.000000e+00 : f32
    %max3A_68 = vector.broadcast %max3A_67 : f32 to vector<512xf32>
    %max3A_69 = arith.maximumf %reduce_min3A_59, %max3A_68 : vector<512xf32>
    %sqrt3A_70 = math.sqrt %max3A_69 : vector<512xf32>
    %sub3A = arith.subf %sqrt3A, %sqrt3A_70 : vector<512xf32>
    %add3A_71 = arith.constant 8.000000e-01 : f32
    %add3A_72 = vector.broadcast %add3A_71 : f32 to vector<512xf32>
    %add3A_73 = arith.addf %sub3A, %add3A_72 : vector<512xf32>
    %max3A_74 = arith.constant 0.000000e+00 : f32
    %max3A_75 = vector.broadcast %max3A_74 : f32 to vector<512xf32>
    %max3A_76 = arith.maximumf %add3A_73, %max3A_75 : vector<512xf32>
    %jit3A_77 = arith.constant 0.000000e+00 : f32
    %broadcast_in_dim3A_78 = vector.broadcast %jit3A_77 : f32 to vector<512xf32>
    %select_n3A_79 = arith.select %and3A_64, %max3A_76, %broadcast_in_dim3A_78 : vector<512xi1>, vector<512xf32>
    %reduce_sum3A_80 = vector.shape_cast %select_n3A_79 : vector<512xf32> to vector<1x512xf32>
    %reduce_sum3A_81 = arith.constant dense<0.000000e+00> : vector<1xf32>
    %reduce_sum3A_82 = vector.multi_reduction <add>, %reduce_sum3A_80, %reduce_sum3A_81 [1] : vector<1x512xf32> to vector<1xf32>
    %reduce_sum3A_83 = vector.shape_cast %reduce_sum3A_82 : vector<1xf32> to vector<1x1xf32>
    %reduce_sum3A_84 = vector.extract %reduce_sum3A_83[0, 0] : f32 from vector<1x1xf32>
    %convert_element_type3A = arith.extui %and3A_64 : vector<512xi1> to vector<512xi32>
    %convert_element_type3A_85 = arith.sitofp %convert_element_type3A : vector<512xi32> to vector<512xf32>
    %reduce_sum3A_86 = vector.shape_cast %convert_element_type3A_85 : vector<512xf32> to vector<1x512xf32>
    %reduce_sum3A_87 = arith.constant dense<0.000000e+00> : vector<1xf32>
    %reduce_sum3A_88 = vector.multi_reduction <add>, %reduce_sum3A_86, %reduce_sum3A_87 [1] : vector<1x512xf32> to vector<1xf32>
    %reduce_sum3A_89 = vector.shape_cast %reduce_sum3A_88 : vector<1xf32> to vector<1x1xf32>
    %reduce_sum3A_90 = vector.extract %reduce_sum3A_89[0, 0] : f32 from vector<1x1xf32>
    %eq3A_91 = arith.constant 0 : i32
    %eq3A_92 = arith.cmpi eq, %arg0, %eq3A_91 : i32
    %convert_element_type3A_93 = arith.extui %eq3A_92 : i1 to i32
    %cond3A = arith.constant 0 : i32
    %cond3A_94 = arith.cmpi ne, %convert_element_type3A_93, %cond3A : i32
    scf.if %cond3A_94 {
      %broadcast_in_dim3A_109 = arith.constant 0.000000e+00 : f32
      %broadcast_in_dim3A_110 = vector.broadcast %broadcast_in_dim3A_109 : f32 to vector<1x1xf32>
      %swap3A_111 = arith.constant 0 : index
      %swap3A_112 = arith.constant 0 : index
      %swap3A_113 = vector.load %arg5[%swap3A_111, %swap3A_112] : memref<1x1xf32, #tpu.memory_space<vmem>>, vector<1x1xf32>
      tpu.vector_store %arg5[%swap3A_111, %swap3A_112], %broadcast_in_dim3A_110 {strides = array<i32>} : memref<1x1xf32, #tpu.memory_space<vmem>>, vector<1x1xf32>,
      %broadcast_in_dim3A_114 = arith.constant 0.000000e+00 : f32
      %broadcast_in_dim3A_115 = vector.broadcast %broadcast_in_dim3A_114 : f32 to vector<1x1xf32>
      %swap3A_116 = arith.constant 0 : index
      %swap3A_117 = arith.constant 0 : index
      %swap3A_118 = vector.load %arg6[%swap3A_116, %swap3A_117] : memref<1x1xf32, #tpu.memory_space<vmem>>, vector<1x1xf32>
      tpu.vector_store %arg6[%swap3A_116, %swap3A_117], %broadcast_in_dim3A_115 {strides = array<i32>} : memref<1x1xf32, #tpu.memory_space<vmem>>, vector<1x1xf32>,
    } else {
    }
    %get3A_95 = arith.constant 0 : index
    %get3A_96 = arith.constant 0 : index
    %get3A_97 = vector.load %arg5[%get3A_95, %get3A_96] : memref<1x1xf32, #tpu.memory_space<vmem>>, vector<1x1xf32>
    %reshape3A = vector.broadcast %reduce_sum3A_84 : f32 to vector<1x1xf32>
    %add3A_98 = arith.addf %get3A_97, %reshape3A : vector<1x1xf32>
    %swap3A = arith.constant 0 : index
    %swap3A_99 = arith.constant 0 : index
    %swap3A_100 = vector.load %arg5[%swap3A, %swap3A_99] : memref<1x1xf32, #tpu.memory_space<vmem>>, vector<1x1xf32>
    tpu.vector_store %arg5[%swap3A, %swap3A_99], %add3A_98 {strides = array<i32>} : memref<1x1xf32, #tpu.memory_space<vmem>>, vector<1x1xf32>,
    %get3A_101 = arith.constant 0 : index
    %get3A_102 = arith.constant 0 : index
    %get3A_103 = vector.load %arg6[%get3A_101, %get3A_102] : memref<1x1xf32, #tpu.memory_space<vmem>>, vector<1x1xf32>
    %reshape3A_104 = vector.broadcast %reduce_sum3A_90 : f32 to vector<1x1xf32>
    %add3A_105 = arith.addf %get3A_103, %reshape3A_104 : vector<1x1xf32>
    %swap3A_106 = arith.constant 0 : index
    %swap3A_107 = arith.constant 0 : index
    %swap3A_108 = vector.load %arg6[%swap3A_106, %swap3A_107] : memref<1x1xf32, #tpu.memory_space<vmem>>, vector<1x1xf32>
    tpu.vector_store %arg6[%swap3A_106, %swap3A_107], %add3A_105 {strides = array<i32>} : memref<1x1xf32, #tpu.memory_space<vmem>>, vector<1x1xf32>,
    return
  }
  func.func @transform_0(%arg0: i32) -> (i32, i32) {
    %c0_i32 = arith.constant 0 : i32
    %c0_i32_0 = arith.constant 0 : i32
    return %arg0, %c0_i32 : i32, i32
  }
  func.func @transform_1(%arg0: i32) -> (i32, i32) {
    %c0_i32 = arith.constant 0 : i32
    %c0_i32_0 = arith.constant 0 : i32
    %c0_i32_1 = arith.constant 0 : i32
    return %c0_i32, %c0_i32_0 : i32, i32
  }
  func.func @transform_2(%arg0: i32) -> (i32, i32) {
    %c0_i32 = arith.constant 0 : i32
    %c0_i32_0 = arith.constant 0 : i32
    %c0_i32_1 = arith.constant 0 : i32
    return %c0_i32, %c0_i32_0 : i32, i32
  }
  func.func @transform_3(%arg0: i32) -> (i32, i32) {
    %c0_i32 = arith.constant 0 : i32
    %c0_i32_0 = arith.constant 0 : i32
    %c0_i32_1 = arith.constant 0 : i32
    return %c0_i32, %c0_i32_0 : i32, i32
  }
  func.func @transform_4(%arg0: i32) -> (i32, i32) {
    %c0_i32 = arith.constant 0 : i32
    %c0_i32_0 = arith.constant 0 : i32
    %c0_i32_1 = arith.constant 0 : i32
    return %c0_i32, %c0_i32_0 : i32, i32
  }
  func.func @transform_5(%arg0: i32) -> (i32, i32) {
    %c0_i32 = arith.constant 0 : i32
    %c0_i32_0 = arith.constant 0 : i32
    %c0_i32_1 = arith.constant 0 : i32
    return %c0_i32, %c0_i32_0 : i32, i32
  }
}

</mosaic_0001>

<sc_bundles>
// kernel: gather_offload_async_start.1
scs
__scs_entry_jumppad:
0x0: {  	(pc) =	sbr.rel $0x88, $3  }
0x1: {  	(tag) =	ssettag $0x0;
	lr =	simm.s32 $0x1  }
0x2: {  	[smem:$0x3F9E] =	sst lr;
	_ =	strace $0xD0000000  }
0x3: {  	_ = 	snop  }
0x4: {  	_ = 	snop  }
0x5: {  	_ = 	snop  }
0x6: {  	_ = 	snop  }
0x7: {  	_ = 	snop  }
__scs_overlays_trampoline_lowered:
0x8: {  	[smem:$0x3FAD] =	sst s0  }
0x9: {  	[smem:$0x3FAE] =	sst s1  }
0xa: {  	[smem:$0x3FAF] =	sst s2  }
0xb: {  	[smem:$0x3FB0] =	sst s3  }
0xc: {  	[smem:$0x3FB1] =	sst s4  }
0xd: {  	[smem:$0x3FB2] =	sst s5  }
0xe: {  	[smem:$0x3FB3] =	sst s6  }
0xf: {  	[smem:$0x3FB4] =	sst s7  }
0x10: {  	[smem:$0x3FB5] =	sst s8  }
0x11: {  	[smem:$0x3FB6] =	sst s9;
	s0 =	simm.s32 @!p0 $0x0  }
0x12: {  	s1 =	sld [smem:$0x3F9C];
	s0 =	simm.s32 @p0 $0x1  }
0x13: {  	[smem:$0x3FB7] =	sst s0;
	s0 =	simm.s32 @!p1 $0x0  }
0x14: {  	s2 =	sld [smem:$0x3F9B];
	s0 =	simm.s32 @p1 $0x1  }
0x15: {  	[smem:$0x3FB8] =	sst s0;
	s0 =	simm.s32 @!p2 $0x0  }
0x16: {  	s3 =	sld [smem:$0x3FDB];
	s0 =	simm.s32 @p2 $0x1  }
0x17: {  	s4 =	simm.s32 $0x1BF5;
	[smem:$0x3FBA] =	sst s0  }
0x18: {  	s0 =	sld [smem:$0x3F9D];
	_ =	swait.ge [sflag:s4], $0x0  }
0x19: {  	s7 =	sld [smem:$0x3F9E]  }
0x1a: {  	s8 =	sadd.s32 $0xFFFFE003, lr  }
0x1b: {  	s9 =	sadd.s32 $0xFFFFFEF7, lr;
	s5 =	simm.s32 $0xFFFFFFFF;
	p2 =	slt.u32 s8, $0xFFFFF086  }
0x1c: {  	p1 =	slt.u32 s9, $0xF7A;
	s5 =	simm.s32 @!p2 $0x0  }
0x1d: {  	s5 =	simm.s32 @p1 $0x1;
	p0 =	seq.s32 s7, s2  }
0x1e: {  	s7 =	smul.u32 @!p0 $0xF7A, s2;
	p2 =	seq.s32 @!p0 s5, $0x0  }
0x1f: {  	s9 =	smul.u32 $0xF7A, s1;
	s8 =	simm.s32 @!p0 $0x1BF5;
	p2 =	por !p2, p0  }
0x20: {  	[sflag:s8] =	ssyncset.s32 @!p0 $0xFFFFF086;
	s6 =	sadd.s32 @!p0 s3, s7;
	s7 =	simm.s32 @!p0 $0x108  }
0x21: {  	s3 =	sadd.s32 s3, s9;
	s6 =	sadd.s32 @!p0 $0x88, s6;
	s7 =	simm.s32 @p2 $0x1082  }
0x22: {  	[simem:s7], [sflag:s8] =	dma.local @!p0 [hbm:s6], $0xF7A  }
0x23: {  	s9 =	sor.u32 $0xD0000000, s2;
	s6 =	simm.s32 $0x108;
	_ =	swait.ge @!p0 [sflag:s8], $0x0  }
0x24: {  	s3 =	sadd.s32 $0x88, s3;
	s6 =	simm.s32 @!p1 $0x1082;
	[sflag:s4] =	ssyncset.s32 $0xFFFFF086  }
0x25: {  	[simem:s6], [sflag:s4] =	dma.local [hbm:s3], $0xF7A  }
0x26: {  	[smem:$0x3F9E] =	sst s1;
	(tag) =	ssettag s2;
	_ =	strace s9  }
0x27: {  	s1 =	sld [smem:$0x3FAE]  }
0x28: {  	s2 =	sld [smem:$0x3FAF]  }
0x29: {  	s4 =	sld [smem:$0x3FB1]  }
0x2a: {  	p0 =	seq.s32 s5, $0x0;
	s5 =	sld [smem:$0x3FB2]  }
0x2b: {  	s6 =	sld [smem:$0x3FB3]  }
0x2c: {  	s7 =	sld [smem:$0x3FB4]  }
0x2d: {  	s3 =	simm.s32 $0x108;
	s8 =	sld [smem:$0x3FB5]  }
0x2e: {  	s3 =	simm.s32 @!p0 $0x1082;
	s9 =	sld [smem:$0x3FB6]  }
0x2f: {  	lr =	sadd.s32 s0, s3;
	s0 =	sld [smem:$0x3FAD]  }
0x30: {  	s3 =	sld [smem:$0x3FB0]  }
0x31: {  	[smem:$0x3FB9] =	sst s10  }
0x32: {  	s10 =	sld [smem:$0x3FB7];
	_ =	sdelay $0x3  }
0x33: {  	p0 =	seq.s32 s10, $0x1;
	s10 =	sld [smem:$0x3FB9];
	_ =	sdelay $0x3  }
0x34: {  	[smem:$0x3FB9] =	sst s10  }
0x35: {  	s10 =	sld [smem:$0x3FB8];
	_ =	sdelay $0x3  }
0x36: {  	p1 =	seq.s32 s10, $0x1;
	s10 =	sld [smem:$0x3FB9];
	_ =	sdelay $0x3  }
0x37: {  	[smem:$0x3FB9] =	sst s10  }
0x38: {  	s10 =	sld [smem:$0x3FBA]  }
0x39: {  	_ = 	snop;
	(pc) =	sbr.ind lr, $3  }
0x3a: {  	_ = 	snop  }
0x3b: {  	_ = 	snop  }
0x3c: {  	p2 =	seq.s32 s10, $0x1;
	s10 =	sld [smem:$0x3FB9]  }
0x3d: {  	_ =	shalt  }
0x3e: {  	_ =	shalt  }
0x3f: {  	_ =	shalt  }
0x40: {  	_ =	shalt  }
0x41: {  	_ =	shalt  }
0x42: {  	_ =	shalt  }
0x43: {  	_ =	shalt  }
0x44: {  	_ =	shalt  }
0x45: {  	_ =	shalt  }
0x46: {  	_ =	shalt  }
0x47: {  	_ =	shalt  }
0x48: {  	_ =	shalt  }
0x49: {  	_ =	shalt  }
0x4a: {  	_ =	shalt  }
0x4b: {  	_ =	shalt  }
0x4c: {  	_ =	shalt  }
0x4d: {  	_ =	shalt  }
0x4e: {  	_ =	shalt  }
0x4f: {  	_ =	shalt  }
0x50: {  	_ =	shalt  }
0x51: {  	_ =	shalt  }
0x52: {  	_ =	shalt  }
0x53: {  	_ =	shalt  }
0x54: {  	_ =	shalt  }
0x55: {  	_ =	shalt  }
0x56: {  	_ =	shalt  }
0x57: {  	_ =	shalt  }
0x58: {  	_ =	shalt  }
0x59: {  	_ =	shalt  }
0x5a: {  	_ =	shalt  }
0x5b: {  	_ =	shalt  }
0x5c: {  	_ =	shalt  }
0x5d: {  	_ =	shalt  }
0x5e: {  	_ =	shalt  }
0x5f: {  	_ =	shalt  }
0x60: {  	_ =	shalt  }
0x61: {  	_ =	shalt  }
0x62: {  	_ =	shalt  }
0x63: {  	_ =	shalt  }
0x64: {  	_ =	shalt  }
0x65: {  	_ =	shalt  }
0x66: {  	_ =	shalt  }
0x67: {  	_ =	shalt  }
0x68: {  	_ =	shalt  }
0x69: {  	_ =	shalt  }
0x6a: {  	_ =	shalt  }
0x6b: {  	_ =	shalt  }
0x6c: {  	_ =	shalt  }
0x6d: {  	_ =	shalt  }
0x6e: {  	_ =	shalt  }
0x6f: {  	_ =	shalt  }
0x70: {  	_ =	shalt  }
0x71: {  	_ =	shalt  }
0x72: {  	_ =	shalt  }
0x73: {  	_ =	shalt  }
0x74: {  	_ =	shalt  }
0x75: {  	_ =	shalt  }
0x76: {  	_ =	shalt  }
0x77: {  	_ =	shalt  }
0x78: {  	_ =	shalt  }
0x79: {  	_ =	shalt  }
0x7a: {  	_ =	shalt  }
0x7b: {  	_ =	shalt  }
0x7c: {  	_ =	shalt  }
0x7d: {  	_ =	shalt  }
0x7e: {  	_ =	shalt  }
0x7f: {  	_ =	shalt  }
0x80: {  	_ =	shalt  }
0x81: {  	_ =	shalt  }
0x82: {  	_ =	shalt  }
0x83: {  	_ =	shalt  }
0x84: {  	_ =	shalt  }
0x85: {  	_ =	shalt  }
0x86: {  	_ =	shalt  }
0x87: {  	_ =	shalt  }
.Lfunc_end0:
.L_simem_size_0:
called_computation.1_lowered:
.L_overlay_start_0:
0x88: {  	s2 =	sld [smem:$0x3FD9]  }
0x89: {  	s3 =	sld [smem:$0x3FFE];
	_ =	sdelay $0x1  }
0x8a: {  	s1 =	srdreg.scid  }
0x8b: {  	s0 =	sand.u32 $0x1, s1  }
0x8c: {  	s17 =	sshll.u32 s0, $0xA;
	s2 =	sadd.s32 s3, s2  }
0x8d: {  	s2 =	sadd.s32 s2, s17  }
0x8e: {  	[smem:$0x3FC5] =	sst s2  }
0x8f: {  	_ = 	snop  }
0x90: {  	(tm) =	ssettm $0x1  }
0x91: {  	s18 =	sld [smem:$0x3FFB];
	_ =	sdelay $0x3  }
0x92: {  	_ =	strace s18  }
0x93: {  	s2 =	sld [smem:$0x3FFC];
	_ =	sdelay $0x3  }
0x94: {  	_ =	strace s2  }
0x95: {  	s2 =	sld [smem:$0x3FFD];
	_ =	sdelay $0x3  }
0x96: {  	_ =	strace s2  }
0x97: {  	_ =	strace $0x8FFFFFFF  }
0x98: {  	s19 =	sld [smem:$0x3FDB];
	_ =	sdelay $0x1  }
0x99: {  	s20 =	simm.s32 $_scs_section_size  }
0x9a: {  	s4 =	simm.s32 $_size__tile_overlayer_lowered;
	s5 =	simm.s32 $_tile_overlayer_lowered  }
0x9b: {  	s6 =	simm.s32 $0x1BFF;
	s21 =	sshll.u32 s5, $0x1;
	s3 =	sadd.s32 s20, s19  }
0x9c: {  	s22 =	simm.s32 $0x0;
	s4 =	sshll.u32 s4, $0x1;
	s5 =	sadd.s32 s21, s3  }
0x9d: {  	[timem:s22], [sflag:s6] =	dma.local [hbm:s5], s4  }
0x9e: {  	_ =	swait.ge [sflag:s6], s4  }
0x9f: {  	s4 =	ssub.s32 $0x0, s4;
	[sflag:s6] =	ssyncset.done $0x0  }
0xa0: {  	[sflag:s6] =	ssyncadd.s32 s4;
	_ =	sdelay $0x1  }
0xa1: {  	s23 =	simm.s32 $0x1B8B  }
0xa2: {  	_ =	swait.ge [sflag:s23], $0x1  }
0xa3: {  	[sflag:s23] =	ssyncset.done $0x0  }
0xa4: {  	[sflag:s23] =	ssyncadd.s32 $0xFFFFFFFF  }
0xa5: {  	s4 =	sld [smem:$0x0]  }
0xa6: {  	s5 =	sand.u32 $0xFFFFFFFE, s1  }
0xa7: {  	p0 =	sne.s32 s1, s5  }
0xa8: {  	s5 =	sshll.u32 @p0 s5, $0xE  }
0xa9: {  	s5 =	sadd.s32 @p0 $0x11B8D, s5;
	s6 =	sshll.u32 @p0 s4, $0x11  }
0xaa: {  	s5 =	sor.u32 @p0 s6, s5  }
0xab: {  	[sflag:s5] =	ssyncadd.remote.s32 @p0 $0x1;
	_ =	sdelay $0x1  }
0xac: {  	s5 =	simm.s32 @p0 $0x1B8D  }
0xad: {  	_ =	swait.eq @p0 [sflag:s5], $0x1  }
0xae: {  	[sflag:s5] =	ssyncadd.s32 @p0 $0xFFFFFFFF  }
0xaf: {  	s6 =	sshll.u32 @!p0 s1, $0xE  }
0xb0: {  	s6 =	sor.u32 @!p0 $0x4000, s6;
	s5 =	simm.s32 @!p0 $0x1B8D  }
0xb1: {  	s4 =	sshll.u32 @!p0 s4, $0x11;
	s6 =	sadd.s32 @!p0 $0x11B8D, s6;
	_ =	swait.eq @!p0 [sflag:s5], $0x1  }
0xb2: {  	s4 =	sor.u32 @!p0 s4, s6;
	[sflag:s5] =	ssyncadd.s32 @!p0 $0xFFFFFFFF  }
0xb3: {  	s25 =	simm.s32 $0x1B8E;
	s24 =	sld [smem:$0x3FFE];
	[sflag:s4] =	ssyncadd.remote.s32 @!p0 $0x1  }
0xb4: {  	s26 =	simm.s32 $execute0_lowered;
	[smem:$0x3FD2] =	sst s25  }
0xb5: {  	s5 =	sshll.u32 s26, $0x1;
	_ =	strace $0x80000049;
	[dreg:$0x1] =	wrdreg $0xFFFFFFFF  }
0xb6: {  	s28 =	simm.s32 $_size_execute0_lowered;
	s3 =	sadd.s32 s3, s5;
	[dreg:$0x0] =	wrdreg $0x0  }
0xb7: {  	s5 =	sshll.u32 s28, $0x1;
	[dreg:$0x2] =	wrdreg s3  }
0xb8: {  	[dreg:$0x3] =	wrdreg s5  }
0xb9: {  	[dreg:$0x4] =	wrdreg $0xC0  }
0xba: {  	_ =	task [dreg:s22], $0x5FFFF  }
0xbb: {  	[dreg:$0x1] =	wrdreg $0xFFFFFFFF  }
0xbc: {  	[dreg:$0x0] =	wrdreg $0x60  }
0xbd: {  	[dreg:$0x2] =	wrdreg s24  }
0xbe: {  	[dreg:$0x3] =	wrdreg $0xA  }
0xbf: {  	_ =	task.clear_ibuf [dreg:s22], $0x4FFFF;
	_ =	strace $0x90000049  }
0xc0: {  	s29 =	simm.s32 $0xA;
	_ =	strace $0x8000004B  }
0xc1: {  	_ =	swait.ge [sflag:s29], $0x1  }
0xc2: {  	[sflag:s29] =	ssyncadd.s32 $0xFFFFFFFF  }
0xc3: {  	_ =	strace $0x9000004B  }
0xc4: {  	_ =	sfence  }
0xc5: {  	s30 =	sld [smem:$0x0];
	_ =	sdelay $0x2  }
0xc6: {  	s31 =	sshll.u32 s1, $0xD;
	s1 =	sshrl.u32 s1, $0x2  }
0xc7: {  	s4 =	sand.u32 $0x4000, s31;
	s1 =	sadd.s32 s1, s30  }
0xc8: {  	s0 =	sor.u32 s4, s0;
	s1 =	sshll.u32 s1, $0x11  }
0xc9: {  	s0 =	sor.u32 s1, s0  }
0xca: {  	s0 =	sadd.s32 $0x8F2B, s0  }
0xcb: {  	[sflag:s0] =	ssyncadd.remote.s32 $0x1  }
0xcc: {  	_ =	sfence.sel $0xFFFF  }
0xcd: {  	[dreg:$0x0] =	wrdreg $0xFFFFFFFF;
	(pc) =	sbr.abs _section_cstart, $3  }
0xce: {  	[dreg:$0x1] =	wrdreg $0xFFFFFFFF  }
0xcf: {  	_ =	task.clear_ibuf [dreg:s22], $0x2FFFF;
	_ =	strace $0x9FFFFFFF  }
0xd0: {  	(tm) =	ssettm $0x7FFFFFFF  }
0xd1: {  	_ =	shalt  }
tec
execute0_lowered:
.L_overlay_start_1:
0x0: {  	(tag) =	ssettag $0x1  }
0x1: {  	s0 =	srdreg.scid;
	s5 =	rddreg [dreg:$0x0]  }
0x2: {  	s1 =	stileid.u32;
	s6 =	simm.s32 $0x1;
	s9 =	simm.s32 $0x1  }
0x3: {  	s10 =	simm.s32 $0x3;
	s13 =	simm.s32 $0x0;
	s2 =	sshll.u32 s0, $0x6  }
0x4: {  	s12 =	simm.s32 $0x0;
	s3 =	sshll.u32 s1, $0x7;
	s2 =	sand.u32 $0x40, s2  }
0x5: {  	s0 =	rddreg [dreg:$0x1];
	_ =	strace $0x8000004A;
	s2 =	sor.u32 s3, s2  }
0x6: {  	s4 =	sadd.s32 $0x600, s5;
	[sflag:s6] =	ssyncpa.u1 $0x0;
	s8 =	ssub.s32 $0x1000, s2  }
.Ltmp0:
0x7: {  	s3 =	sadd.s32 $0x400, s5;
	s7 =	sand.u32 $0x7C0, s8;
	(pc) =	sbr.rel .LBB2_1-.Ltmp0, $4  }
0x8: {  	s5 =	sadd.s32 $0xA00, s5;
	s11 =	smov.u32 s2;
	p0 =	sne.s32 s7, $0x0  }
0x9: {  	s8 =	sshrl.u32 s8, $0xB;
	s7 =	simm.s32 $0x2;
	s9 =	simm.s32 @!p0 $0x0  }
0xa: {  	[sflag:s7] =	ssyncpa.u1 $0x0;
	p0 =	por $0x0, $0x0;
	s8 =	sadd.s32 s9, s8  }
0xb: {  	vm0 =	vmmov $0xffff;
	[sflag:s10] =	ssyncpa.u1 $0x0;
	s10 =	simm.s32 $0x0;
	s9 =	sadd.s32 $0x1, s8  }
.LBB2_4:
0xc: {  	v2 =	vnsel vm1, $0x0, v2  }
0xd: {  	vm1 =	vgt.s32 v0, $0x0;
	v2 =	vmin.u32 v2, $0xFFF  }
0xe: {  	v0 =	vnsel vm1, $0x0, v0  }
0xf: {  	v0 =	vmin.u32 v0, $0xFFF  }
0x10: {  	[tilespmem:s15], [sflag:$0x1] =	stream.indirect_vreg.gather [hbm4b:s3+s10], $0x1, v1, vm0, $0x4038;
	[tilespmem:$0x100] =	vst v63  }
0x11: {  	(ifvalue) =	ssetifvalue $0x7FFFFFFF  }
0x12: {  	[tilespmem:s16], [sflag:$0x1] =	stream.indirect_vreg.gather [hbm4b:s3+s10], $0x1, v2, vm0, $0x4038;
	[tilespmem:$0x100] =	vst v63  }
0x13: {  	s29 =	sadd.s32 $0x10, s16;
	(ifvalue) =	ssetifvalue $0x7FFFFFFF  }
0x14: {  	[tilespmem:s29], [sflag:$0x1] =	stream.indirect_vreg.gather [hbm4b:s3+s10], $0x1, v0, vm0, $0x4038;
	[tilespmem:$0x100] =	vst v63  }
0x15: {  	_ =	swait.ge [sflag:s6], $0x40  }
0x16: {  	s30 =	sshrl.u32 s13, $0x3;
	[sflag:s6] =	ssyncset.done $0x0  }
0x17: {  	s31 =	sand.u32 $0x7, s13;
	s15 =	sadd.s32 s5, s30;
	[sflag:s6] =	ssyncadd.s32 $0xFFFFFFC0  }
0x18: {  	[hbm4b:s15+s31] =	stream.linear.scatter [tilespmem:s14], [sflag:$0x3], $0x40, $0x38;
	[tilespmem:$0x100] =	vst v63  }
.LBB2_5:
0x19: {  	s15 =	sadd.s32 $0x800, s11  }
0x1a: {  	p2 =	sgt.s32 s15, $0xFFF  }
0x1b: {  	s15 =	smov.u32 @p2 s2;
	p2 =	sne.s32 s12, s9  }
.Ltmp1:
0x1c: {  	p1 =	slt.u32 s12, $0x2;
	(pc) =	sbr.rel @!p2 .LBB2_6-.Ltmp1, $4  }
0x1d: {  	s14 =	simm.s32 @!p1 $0x3  }
0x1e: {  	s16 =	sadd.s32 $0x1, s12;
	_ =	swait.ge @!p1 [sflag:s14], $0x40  }
0x1f: {  	s13 =	smov.u32 s11;
	p0 =	por !p0, !p0;
	[sflag:s14] =	ssyncset.done @!p1 $0x0  }
0x20: {  	s12 =	smov.u32 s16;
	s11 =	smov.u32 s15;
	[sflag:s14] =	ssyncadd.s32 @!p1 $0xFFFFFFC0  }
.LBB2_1:
0x21: {  	p1 =	sge.u32 s12, s8  }
0x22: {  	s14 =	sxor.u32 @!p1 $0xFFFFFFFF, s12  }
0x23: {  	s31 =	sadd.s32 $0xFFFFFFFF, s12;
	s15 =	sshrl.u32 @!p1 s11, $0x3;
	s14 =	sshll.u32 @!p1 s14, $0x6  }
0x24: {  	s16 =	sand.u32 @!p1 $0x7, s11;
	s15 =	sadd.s32 @!p1 s4, s15;
	s14 =	sand.u32 @!p1 $0x40, s14  }
0x25: {  	[tilespmem:s14], [sflag:$0x2] =	stream.linear.gather @!p1 [hbm4b:s15+s16], $0x40, $0x38;
	[tilespmem:$0x100] =	vst v63  }
0x26: {  	p1 =	sge.u32 s31, s8  }
.Ltmp2:
0x27: {  	_ = 	snop;
	(pc) =	sbr.rel @p1 .LBB2_5-.Ltmp2, $1  }
0x28: {  	_ =	sdelay $0x3  }
0x29: {  	s14 =	simm.s32 $0x1  }
0x2a: {  	_ =	swait.ge [sflag:s7], $0x40;
	s14 =	simm.s32 @!p0 $0x0  }
0x2b: {  	[sflag:s7] =	ssyncset.done $0x0;
	s14 =	sshll.u32 s14, $0x6  }
0x2c: {  	[sflag:s7] =	ssyncadd.s32 $0xFFFFFFC0;
	(ifvalue) =	ssetifvalue $0x7FFFFFFF;
	v0 =	vld.msk [tilespmem:s14+$0x0 ss:$0x1], $0xffff;
	_ =	sdelay $0x4  }
0x2d: {  	s15 =	sadd.s32 $0x10, s14;
	vm1 =	vgt.s32 v0, $0x0  }
0x2e: {  	v2 =	vld.msk [tilespmem:s15+$0x0 ss:$0x1], $0xffff;
	v1 =	vnsel vm1, $0x0, v0  }
0x2f: {  	v1 =	vmin.u32 v1, $0xFFF;
	_ =	sdelay $0x1  }
0x30: {  	s16 =	sshll.u32 s12, $0x6;
	s18 =	simm.s32 $0x20  }
0x31: {  	s16 =	sand.u32 $0x40, s16;
	s17 =	sadd.s32 $0x10, s15;
	s15 =	sor.u32 $0x80, s14  }
0x32: {  	s14 =	sor.u32 $0x80, s16;
	s16 =	sadd.s32 $0x10, s15;
	v0 =	vld.msk [tilespmem:s17+$0x0 ss:$0x1], $0xffff;
	vm1 =	vgt.s32 v2, $0x0;
	(ifvalue) =	ssetifvalue $0x7FFFFFFF  }
.LBB2_3:
0x33: {  	[tilespmem:s15], [sflag:$0x1] =	stream.indirect_vreg.gather [hbm4b:s3+s10], $0x1, v1, vm0, $0x4038;
	[tilespmem:$0x100] =	vst v63  }
0x34: {  	s18 =	sadd.s32 $0x10, s18  }
0x35: {  	v2 =	vnsel vm1, $0x0, v2;
	p1 =	slt.u32 s18, $0x30  }
.Ltmp3:
0x36: {  	s15 =	smov.u32 s16;
	v1 =	vmin.u32 v2, $0xFFF;
	(pc) =	sbr.rel @p1 .LBB2_3-.Ltmp3, $3  }
0x37: {  	_ =	sdelay $0x1  }
0x38: {  	s17 =	sadd.s32 $0x10, s17  }
0x39: {  	vm1 =	vgt.s32 v0, $0x0;
	s16 =	sadd.s32 $0x10, s16;
	v2 =	vmov v0;
	(ifvalue) =	ssetifvalue $0x7FFFFFFF;
	v0 =	vld.msk [tilespmem:s17+$0x0 ss:$0x1], $0xffff  }
.Ltmp4:
0x3a: {  	_ = 	snop;
	(pc) =	sbr.rel .LBB2_4-.Ltmp4, $1  }
0x3b: {  	_ =	sdelay $0x3  }
.LBB2_6:
0x3c: {  	_ =	sfence.sel $0x180000  }
0x3d: {  	s2 =	simm.s32 $0x2;
	[bflag:$0x0] =	sbarrier.arrive $0xFFFF  }
0x3e: {  	s30 =	simm.s32 $0x3;
	[sflag:s2] =	ssyncpa.u1 $0x1  }
0x3f: {  	s31 =	simm.s32 $0x1;
	[sflag:s30] =	ssyncpa.u1 $0x1  }
0x40: {  	[sflag:s31] =	ssyncpa.u1 $0x1  }
0x41: {  	p0 =	sne.s32 s1, $0x0;
	_ =	strace $0x9000004A  }
0x42: {  	s0 =	sadd.s32 @!p0 $0x100000, s0;
	[bflag:$0x2] =	sbarrier.arrive $0xFFFF  }
0x43: {  	[sflag:s0] =	ssyncadd.tile.s32 @!p0 $0x1;
	_ =	shalt  }
.Lfunc_end2:
_tile_overlayer_lowered:
.L_overlay_start_2:
0x44: {  	(tag) =	ssettag $0x2  }
0x45: {  	s0 =	rddreg [dreg:$0x0];
	s2 =	stileid.u32  }
0x46: {  	s1 =	rddreg [dreg:$0x1];
	p0 =	sne.s32 s2, $0x0  }
0x47: {  	s3 =	rddreg [dreg:$0x2];
	[bflag:$0x3] =	sbarrier.arrive $0xFFFF;
	s2 =	simm.s32 @!p0 $0x1C01  }
0x48: {  	[timem:s3], [sflag:s2] =	dma.local @!p0 [hbm:s0], s1  }
0x49: {  	s0 =	simm.s32 @!p0 $0x1  }
0x4a: {  	_ =	swait.ge @!p0 [sflag:s0], s1  }
0x4b: {  	s1 =	ssub.s32 @!p0 $0x0, s1;
	[sflag:s0] =	ssyncset.done @!p0 $0x0  }
0x4c: {  	[sflag:s0] =	ssyncadd.s32 @!p0 s1  }
0x4d: {  	[bflag:$0x3] =	sbarrier.arrive $0xFFFF  }
0x4e: {  	_ =	shalt  }

// kernel: gather_offload_async_start.2
scs
__scs_entry_jumppad:
0x0: {  	(pc) =	sbr.rel $0x88, $3  }
0x1: {  	(tag) =	ssettag $0x0;
	lr =	simm.s32 $0x1  }
0x2: {  	[smem:$0x3F9E] =	sst lr;
	_ =	strace $0xD0000000  }
0x3: {  	_ = 	snop  }
0x4: {  	_ = 	snop  }
0x5: {  	_ = 	snop  }
0x6: {  	_ = 	snop  }
0x7: {  	_ = 	snop  }
__scs_overlays_trampoline_lowered:
0x8: {  	[smem:$0x3FAD] =	sst s0  }
0x9: {  	[smem:$0x3FAE] =	sst s1  }
0xa: {  	[smem:$0x3FAF] =	sst s2  }
0xb: {  	[smem:$0x3FB0] =	sst s3  }
0xc: {  	[smem:$0x3FB1] =	sst s4  }
0xd: {  	[smem:$0x3FB2] =	sst s5  }
0xe: {  	[smem:$0x3FB3] =	sst s6  }
0xf: {  	[smem:$0x3FB4] =	sst s7  }
0x10: {  	[smem:$0x3FB5] =	sst s8  }
0x11: {  	[smem:$0x3FB6] =	sst s9;
	s0 =	simm.s32 @!p0 $0x0  }
0x12: {  	s1 =	sld [smem:$0x3F9C];
	s0 =	simm.s32 @p0 $0x1  }
0x13: {  	[smem:$0x3FB7] =	sst s0;
	s0 =	simm.s32 @!p1 $0x0  }
0x14: {  	s2 =	sld [smem:$0x3F9B];
	s0 =	simm.s32 @p1 $0x1  }
0x15: {  	[smem:$0x3FB8] =	sst s0;
	s0 =	simm.s32 @!p2 $0x0  }
0x16: {  	s3 =	sld [smem:$0x3FDB];
	s0 =	simm.s32 @p2 $0x1  }
0x17: {  	s4 =	simm.s32 $0x1BF5;
	[smem:$0x3FBA] =	sst s0  }
0x18: {  	s0 =	sld [smem:$0x3F9D];
	_ =	swait.ge [sflag:s4], $0x0  }
0x19: {  	s7 =	sld [smem:$0x3F9E]  }
0x1a: {  	s8 =	sadd.s32 $0xFFFFE003, lr  }
0x1b: {  	s9 =	sadd.s32 $0xFFFFFEF7, lr;
	s5 =	simm.s32 $0xFFFFFFFF;
	p2 =	slt.u32 s8, $0xFFFFF086  }
0x1c: {  	p1 =	slt.u32 s9, $0xF7A;
	s5 =	simm.s32 @!p2 $0x0  }
0x1d: {  	s5 =	simm.s32 @p1 $0x1;
	p0 =	seq.s32 s7, s2  }
0x1e: {  	s7 =	smul.u32 @!p0 $0xF7A, s2;
	p2 =	seq.s32 @!p0 s5, $0x0  }
0x1f: {  	s9 =	smul.u32 $0xF7A, s1;
	s8 =	simm.s32 @!p0 $0x1BF5;
	p2 =	por !p2, p0  }
0x20: {  	[sflag:s8] =	ssyncset.s32 @!p0 $0xFFFFF086;
	s6 =	sadd.s32 @!p0 s3, s7;
	s7 =	simm.s32 @!p0 $0x108  }
0x21: {  	s3 =	sadd.s32 s3, s9;
	s6 =	sadd.s32 @!p0 $0x88, s6;
	s7 =	simm.s32 @p2 $0x1082  }
0x22: {  	[simem:s7], [sflag:s8] =	dma.local @!p0 [hbm:s6], $0xF7A  }
0x23: {  	s9 =	sor.u32 $0xD0000000, s2;
	s6 =	simm.s32 $0x108;
	_ =	swait.ge @!p0 [sflag:s8], $0x0  }
0x24: {  	s3 =	sadd.s32 $0x88, s3;
	s6 =	simm.s32 @!p1 $0x1082;
	[sflag:s4] =	ssyncset.s32 $0xFFFFF086  }
0x25: {  	[simem:s6], [sflag:s4] =	dma.local [hbm:s3], $0xF7A  }
0x26: {  	[smem:$0x3F9E] =	sst s1;
	(tag) =	ssettag s2;
	_ =	strace s9  }
0x27: {  	s1 =	sld [smem:$0x3FAE]  }
0x28: {  	s2 =	sld [smem:$0x3FAF]  }
0x29: {  	s4 =	sld [smem:$0x3FB1]  }
0x2a: {  	p0 =	seq.s32 s5, $0x0;
	s5 =	sld [smem:$0x3FB2]  }
0x2b: {  	s6 =	sld [smem:$0x3FB3]  }
0x2c: {  	s7 =	sld [smem:$0x3FB4]  }
0x2d: {  	s3 =	simm.s32 $0x108;
	s8 =	sld [smem:$0x3FB5]  }
0x2e: {  	s3 =	simm.s32 @!p0 $0x1082;
	s9 =	sld [smem:$0x3FB6]  }
0x2f: {  	lr =	sadd.s32 s0, s3;
	s0 =	sld [smem:$0x3FAD]  }
0x30: {  	s3 =	sld [smem:$0x3FB0]  }
0x31: {  	[smem:$0x3FB9] =	sst s10  }
0x32: {  	s10 =	sld [smem:$0x3FB7];
	_ =	sdelay $0x3  }
0x33: {  	p0 =	seq.s32 s10, $0x1;
	s10 =	sld [smem:$0x3FB9];
	_ =	sdelay $0x3  }
0x34: {  	[smem:$0x3FB9] =	sst s10  }
0x35: {  	s10 =	sld [smem:$0x3FB8];
	_ =	sdelay $0x3  }
0x36: {  	p1 =	seq.s32 s10, $0x1;
	s10 =	sld [smem:$0x3FB9];
	_ =	sdelay $0x3  }
0x37: {  	[smem:$0x3FB9] =	sst s10  }
0x38: {  	s10 =	sld [smem:$0x3FBA]  }
0x39: {  	_ = 	snop;
	(pc) =	sbr.ind lr, $3  }
0x3a: {  	_ = 	snop  }
0x3b: {  	_ = 	snop  }
0x3c: {  	p2 =	seq.s32 s10, $0x1;
	s10 =	sld [smem:$0x3FB9]  }
0x3d: {  	_ =	shalt  }
0x3e: {  	_ =	shalt  }
0x3f: {  	_ =	shalt  }
0x40: {  	_ =	shalt  }
0x41: {  	_ =	shalt  }
0x42: {  	_ =	shalt  }
0x43: {  	_ =	shalt  }
0x44: {  	_ =	shalt  }
0x45: {  	_ =	shalt  }
0x46: {  	_ =	shalt  }
0x47: {  	_ =	shalt  }
0x48: {  	_ =	shalt  }
0x49: {  	_ =	shalt  }
0x4a: {  	_ =	shalt  }
0x4b: {  	_ =	shalt  }
0x4c: {  	_ =	shalt  }
0x4d: {  	_ =	shalt  }
0x4e: {  	_ =	shalt  }
0x4f: {  	_ =	shalt  }
0x50: {  	_ =	shalt  }
0x51: {  	_ =	shalt  }
0x52: {  	_ =	shalt  }
0x53: {  	_ =	shalt  }
0x54: {  	_ =	shalt  }
0x55: {  	_ =	shalt  }
0x56: {  	_ =	shalt  }
0x57: {  	_ =	shalt  }
0x58: {  	_ =	shalt  }
0x59: {  	_ =	shalt  }
0x5a: {  	_ =	shalt  }
0x5b: {  	_ =	shalt  }
0x5c: {  	_ =	shalt  }
0x5d: {  	_ =	shalt  }
0x5e: {  	_ =	shalt  }
0x5f: {  	_ =	shalt  }
0x60: {  	_ =	shalt  }
0x61: {  	_ =	shalt  }
0x62: {  	_ =	shalt  }
0x63: {  	_ =	shalt  }
0x64: {  	_ =	shalt  }
0x65: {  	_ =	shalt  }
0x66: {  	_ =	shalt  }
0x67: {  	_ =	shalt  }
0x68: {  	_ =	shalt  }
0x69: {  	_ =	shalt  }
0x6a: {  	_ =	shalt  }
0x6b: {  	_ =	shalt  }
0x6c: {  	_ =	shalt  }
0x6d: {  	_ =	shalt  }
0x6e: {  	_ =	shalt  }
0x6f: {  	_ =	shalt  }
0x70: {  	_ =	shalt  }
0x71: {  	_ =	shalt  }
0x72: {  	_ =	shalt  }
0x73: {  	_ =	shalt  }
0x74: {  	_ =	shalt  }
0x75: {  	_ =	shalt  }
0x76: {  	_ =	shalt  }
0x77: {  	_ =	shalt  }
0x78: {  	_ =	shalt  }
0x79: {  	_ =	shalt  }
0x7a: {  	_ =	shalt  }
0x7b: {  	_ =	shalt  }
0x7c: {  	_ =	shalt  }
0x7d: {  	_ =	shalt  }
0x7e: {  	_ =	shalt  }
0x7f: {  	_ =	shalt  }
0x80: {  	_ =	shalt  }
0x81: {  	_ =	shalt  }
0x82: {  	_ =	shalt  }
0x83: {  	_ =	shalt  }
0x84: {  	_ =	shalt  }
0x85: {  	_ =	shalt  }
0x86: {  	_ =	shalt  }
0x87: {  	_ =	shalt  }
.Lfunc_end0:
.L_simem_size_0:
called_computation.2_lowered:
.L_overlay_start_0:
0x88: {  	s2 =	sld [smem:$0x3FD9]  }
0x89: {  	s3 =	sld [smem:$0x3FFE];
	_ =	sdelay $0x1  }
0x8a: {  	s1 =	srdreg.scid  }
0x8b: {  	s0 =	sand.u32 $0x1, s1  }
0x8c: {  	s17 =	sshll.u32 s0, $0xA;
	s2 =	sadd.s32 s3, s2  }
0x8d: {  	s2 =	sadd.s32 s2, s17  }
0x8e: {  	[smem:$0x3FC5] =	sst s2  }
0x8f: {  	_ = 	snop  }
0x90: {  	s2 =	sld [smem:$0x3FC7];
	(tm) =	ssettm $0x1  }
0x91: {  	s18 =	sld [smem:$0x3FFB];
	_ =	sdelay $0x3  }
0x92: {  	_ =	strace s18  }
0x93: {  	s3 =	sld [smem:$0x3FFC];
	_ =	sdelay $0x3  }
0x94: {  	_ =	strace s3  }
0x95: {  	s3 =	sld [smem:$0x3FFD];
	_ =	sdelay $0x3  }
0x96: {  	_ =	strace s3  }
0x97: {  	_ =	strace $0x8FFFFFFF  }
0x98: {  	s19 =	sld [smem:$0x3FDB];
	_ =	sdelay $0x1  }
0x99: {  	s4 =	simm.s32 $_scs_section_size  }
0x9a: {  	s5 =	simm.s32 $_size__tile_overlayer_lowered;
	s6 =	simm.s32 $_tile_overlayer_lowered  }
0x9b: {  	s22 =	simm.s32 $0x1BFF;
	s21 =	sshll.u32 s6, $0x1;
	s3 =	sadd.s32 s4, s19  }
0x9c: {  	s7 =	simm.s32 $0x0;
	s20 =	sshll.u32 s5, $0x1;
	s5 =	sadd.s32 s21, s3  }
0x9d: {  	[timem:s7], [sflag:s22] =	dma.local [hbm:s5], s20  }
0x9e: {  	_ =	swait.ge [sflag:s22], s20  }
0x9f: {  	s4 =	ssub.s32 $0x0, s20;
	[sflag:s22] =	ssyncset.done $0x0  }
0xa0: {  	[sflag:s22] =	ssyncadd.s32 s4;
	_ =	sdelay $0x1  }
0xa1: {  	s23 =	simm.s32 $0x1B8B  }
0xa2: {  	_ =	swait.ge [sflag:s23], $0x1  }
0xa3: {  	[sflag:s23] =	ssyncset.done $0x0  }
0xa4: {  	s25 =	simm.s32 $0x1B8E;
	s24 =	sld [smem:$0x3FFE];
	[sflag:s23] =	ssyncadd.s32 $0xFFFFFFFF  }
0xa5: {  	s26 =	simm.s32 $execute0_lowered;
	[smem:$0x3FD2] =	sst s25  }
0xa6: {  	s5 =	sshll.u32 s26, $0x1;
	_ =	strace $0x80000046;
	[dreg:$0x1] =	wrdreg $0xFFFFFFFF  }
0xa7: {  	s28 =	simm.s32 $_size_execute0_lowered;
	s3 =	sadd.s32 s3, s5;
	[dreg:$0x0] =	wrdreg $0x0  }
0xa8: {  	s5 =	sshll.u32 s28, $0x1;
	[dreg:$0x2] =	wrdreg s3  }
0xa9: {  	[dreg:$0x3] =	wrdreg s5  }
0xaa: {  	[dreg:$0x4] =	wrdreg $0xC0  }
0xab: {  	_ =	task [dreg:s7], $0x5FFFF  }
0xac: {  	[dreg:$0x1] =	wrdreg $0xFFFFFFFF  }
0xad: {  	[dreg:$0x0] =	wrdreg $0x60  }
0xae: {  	[dreg:$0x2] =	wrdreg s2  }
0xaf: {  	[dreg:$0x3] =	wrdreg s24  }
0xb0: {  	[dreg:$0x4] =	wrdreg $0xB  }
0xb1: {  	_ =	task.clear_ibuf [dreg:s7], $0x5FFFF;
	_ =	strace $0x90000046  }
0xb2: {  	s29 =	simm.s32 $0xB;
	_ =	strace $0x80000048  }
0xb3: {  	_ =	swait.ge [sflag:s29], $0x1  }
0xb4: {  	[sflag:s29] =	ssyncadd.s32 $0xFFFFFFFF  }
0xb5: {  	_ =	strace $0x90000048  }
0xb6: {  	_ =	sfence  }
0xb7: {  	s30 =	sld [smem:$0x0];
	_ =	sdelay $0x2  }
0xb8: {  	s31 =	sshll.u32 s1, $0xD;
	s1 =	sshrl.u32 s1, $0x2  }
0xb9: {  	s3 =	sand.u32 $0x4000, s31;
	s1 =	sadd.s32 s1, s30  }
0xba: {  	s0 =	sor.u32 s3, s0;
	s1 =	sshll.u32 s1, $0x11  }
0xbb: {  	s0 =	sor.u32 s1, s0  }
0xbc: {  	s0 =	sadd.s32 $0x8F2B, s0  }
0xbd: {  	[sflag:s0] =	ssyncadd.remote.s32 $0x1  }
0xbe: {  	_ =	sfence.sel $0xFFFF  }
0xbf: {  	[dreg:$0x0] =	wrdreg $0xFFFFFFFF;
	(pc) =	sbr.abs _section_cstart, $3  }
0xc0: {  	[dreg:$0x1] =	wrdreg $0xFFFFFFFF  }
0xc1: {  	_ =	task.clear_ibuf [dreg:s7], $0x2FFFF;
	_ =	strace $0x9FFFFFFF  }
0xc2: {  	(tm) =	ssettm $0x7FFFFFFF  }
0xc3: {  	_ =	shalt  }
tec
execute0_lowered:
.L_overlay_start_1:
0x0: {  	(tag) =	ssettag $0x1  }
0x1: {  	s1 =	srdreg.scid;
	s2 =	rddreg [dreg:$0x0]  }
0x2: {  	s0 =	stileid.u32;
	s5 =	rddreg [dreg:$0x1];
	s6 =	simm.s32 $0x1  }
0x3: {  	s9 =	simm.s32 $0x1;
	s10 =	simm.s32 $0x3;
	s1 =	sshll.u32 s1, $0x6  }
0x4: {  	s13 =	simm.s32 $0x0;
	s3 =	sshll.u32 s0, $0x7;
	s4 =	sand.u32 $0x40, s1  }
0x5: {  	s12 =	simm.s32 $0x0;
	s1 =	rddreg [dreg:$0x2];
	s3 =	sor.u32 s3, s4  }
0x6: {  	_ =	strace $0x80000047;
	s4 =	sadd.s32 $0x600, s5;
	s8 =	ssub.s32 $0x1000, s3  }
.Ltmp0:
0x7: {  	s5 =	sadd.s32 $0x800, s5;
	s7 =	sand.u32 $0x7C0, s8;
	(pc) =	sbr.rel .LBB2_1-.Ltmp0, $4  }
0x8: {  	[sflag:s6] =	ssyncpa.u1 $0x0;
	s11 =	smov.u32 s3;
	p0 =	sne.s32 s7, $0x0  }
0x9: {  	s8 =	sshrl.u32 s8, $0xB;
	s7 =	simm.s32 $0x2;
	s9 =	simm.s32 @!p0 $0x0  }
0xa: {  	[sflag:s7] =	ssyncpa.u1 $0x0;
	p0 =	por $0x0, $0x0;
	s8 =	sadd.s32 s9, s8  }
0xb: {  	vm0 =	vmmov $0xffff;
	[sflag:s10] =	ssyncpa.u1 $0x0;
	s10 =	simm.s32 $0x0;
	s9 =	sadd.s32 $0x1, s8  }
.LBB2_4:
0xc: {  	v2 =	vnsel vm1, $0x0, v2  }
0xd: {  	vm1 =	vgt.s32 v0, $0x0;
	v2 =	vmin.u32 v2, $0xFFF  }
0xe: {  	v0 =	vnsel vm1, $0x0, v0  }
0xf: {  	v0 =	vmin.u32 v0, $0xFFF  }
0x10: {  	[tilespmem:s15], [sflag:$0x1] =	stream.indirect_vreg.gather [hbm4b:s2+s10], $0x1, v1, vm0, $0x4038;
	[tilespmem:$0x100] =	vst v63  }
0x11: {  	(ifvalue) =	ssetifvalue $0x7FFFFFFF  }
0x12: {  	[tilespmem:s16], [sflag:$0x1] =	stream.indirect_vreg.gather [hbm4b:s2+s10], $0x1, v2, vm0, $0x4038;
	[tilespmem:$0x100] =	vst v63  }
0x13: {  	s29 =	sadd.s32 $0x10, s16;
	(ifvalue) =	ssetifvalue $0x7FFFFFFF  }
0x14: {  	[tilespmem:s29], [sflag:$0x1] =	stream.indirect_vreg.gather [hbm4b:s2+s10], $0x1, v0, vm0, $0x4038;
	[tilespmem:$0x100] =	vst v63  }
0x15: {  	_ =	swait.ge [sflag:s6], $0x40  }
0x16: {  	s30 =	sshrl.u32 s13, $0x3;
	[sflag:s6] =	ssyncset.done $0x0  }
0x17: {  	s31 =	sand.u32 $0x7, s13;
	s15 =	sadd.s32 s5, s30;
	[sflag:s6] =	ssyncadd.s32 $0xFFFFFFC0  }
0x18: {  	[hbm4b:s15+s31] =	stream.linear.scatter [tilespmem:s14], [sflag:$0x3], $0x40, $0x38;
	[tilespmem:$0x100] =	vst v63  }
.LBB2_5:
0x19: {  	s15 =	sadd.s32 $0x800, s11  }
0x1a: {  	p2 =	sgt.s32 s15, $0xFFF  }
0x1b: {  	s15 =	smov.u32 @p2 s3;
	p2 =	sne.s32 s12, s9  }
.Ltmp1:
0x1c: {  	p1 =	slt.u32 s12, $0x2;
	(pc) =	sbr.rel @!p2 .LBB2_6-.Ltmp1, $4  }
0x1d: {  	s14 =	simm.s32 @!p1 $0x3  }
0x1e: {  	s16 =	sadd.s32 $0x1, s12;
	_ =	swait.ge @!p1 [sflag:s14], $0x40  }
0x1f: {  	s13 =	smov.u32 s11;
	p0 =	por !p0, !p0;
	[sflag:s14] =	ssyncset.done @!p1 $0x0  }
0x20: {  	s12 =	smov.u32 s16;
	s11 =	smov.u32 s15;
	[sflag:s14] =	ssyncadd.s32 @!p1 $0xFFFFFFC0  }
.LBB2_1:
0x21: {  	p1 =	sge.u32 s12, s8  }
0x22: {  	s14 =	sxor.u32 @!p1 $0xFFFFFFFF, s12  }
0x23: {  	s31 =	sadd.s32 $0xFFFFFFFF, s12;
	s15 =	sshrl.u32 @!p1 s11, $0x3;
	s14 =	sshll.u32 @!p1 s14, $0x6  }
0x24: {  	s16 =	sand.u32 @!p1 $0x7, s11;
	s15 =	sadd.s32 @!p1 s4, s15;
	s14 =	sand.u32 @!p1 $0x40, s14  }
0x25: {  	[tilespmem:s14], [sflag:$0x2] =	stream.linear.gather @!p1 [hbm4b:s15+s16], $0x40, $0x38;
	[tilespmem:$0x100] =	vst v63  }
0x26: {  	p1 =	sge.u32 s31, s8  }
.Ltmp2:
0x27: {  	_ = 	snop;
	(pc) =	sbr.rel @p1 .LBB2_5-.Ltmp2, $1  }
0x28: {  	_ =	sdelay $0x3  }
0x29: {  	s14 =	simm.s32 $0x1  }
0x2a: {  	_ =	swait.ge [sflag:s7], $0x40;
	s14 =	simm.s32 @!p0 $0x0  }
0x2b: {  	[sflag:s7] =	ssyncset.done $0x0;
	s14 =	sshll.u32 s14, $0x6  }
0x2c: {  	[sflag:s7] =	ssyncadd.s32 $0xFFFFFFC0;
	(ifvalue) =	ssetifvalue $0x7FFFFFFF;
	v0 =	vld.msk [tilespmem:s14+$0x0 ss:$0x1], $0xffff;
	_ =	sdelay $0x4  }
0x2d: {  	s15 =	sadd.s32 $0x10, s14;
	vm1 =	vgt.s32 v0, $0x0  }
0x2e: {  	v2 =	vld.msk [tilespmem:s15+$0x0 ss:$0x1], $0xffff;
	v1 =	vnsel vm1, $0x0, v0  }
0x2f: {  	v1 =	vmin.u32 v1, $0xFFF;
	_ =	sdelay $0x1  }
0x30: {  	s16 =	sshll.u32 s12, $0x6;
	s18 =	simm.s32 $0x20  }
0x31: {  	s16 =	sand.u32 $0x40, s16;
	s17 =	sadd.s32 $0x10, s15;
	s15 =	sor.u32 $0x80, s14  }
0x32: {  	s14 =	sor.u32 $0x80, s16;
	s16 =	sadd.s32 $0x10, s15;
	v0 =	vld.msk [tilespmem:s17+$0x0 ss:$0x1], $0xffff;
	vm1 =	vgt.s32 v2, $0x0;
	(ifvalue) =	ssetifvalue $0x7FFFFFFF  }
.LBB2_3:
0x33: {  	[tilespmem:s15], [sflag:$0x1] =	stream.indirect_vreg.gather [hbm4b:s2+s10], $0x1, v1, vm0, $0x4038;
	[tilespmem:$0x100] =	vst v63  }
0x34: {  	s18 =	sadd.s32 $0x10, s18  }
0x35: {  	v2 =	vnsel vm1, $0x0, v2;
	p1 =	slt.u32 s18, $0x30  }
.Ltmp3:
0x36: {  	s15 =	smov.u32 s16;
	v1 =	vmin.u32 v2, $0xFFF;
	(pc) =	sbr.rel @p1 .LBB2_3-.Ltmp3, $3  }
0x37: {  	_ =	sdelay $0x1  }
0x38: {  	s17 =	sadd.s32 $0x10, s17  }
0x39: {  	vm1 =	vgt.s32 v0, $0x0;
	s16 =	sadd.s32 $0x10, s16;
	v2 =	vmov v0;
	(ifvalue) =	ssetifvalue $0x7FFFFFFF;
	v0 =	vld.msk [tilespmem:s17+$0x0 ss:$0x1], $0xffff  }
.Ltmp4:
0x3a: {  	_ = 	snop;
	(pc) =	sbr.rel .LBB2_4-.Ltmp4, $1  }
0x3b: {  	_ =	sdelay $0x3  }
.LBB2_6:
0x3c: {  	_ =	sfence.sel $0x180000  }
0x3d: {  	s2 =	simm.s32 $0x2;
	[bflag:$0x0] =	sbarrier.arrive $0xFFFF  }
0x3e: {  	s30 =	simm.s32 $0x3;
	[sflag:s2] =	ssyncpa.u1 $0x1  }
0x3f: {  	s31 =	simm.s32 $0x1;
	[sflag:s30] =	ssyncpa.u1 $0x1  }
0x40: {  	[sflag:s31] =	ssyncpa.u1 $0x1  }
0x41: {  	p0 =	sne.s32 s0, $0x0;
	_ =	strace $0x90000047  }
0x42: {  	s0 =	sadd.s32 @!p0 $0x100000, s1;
	[bflag:$0x2] =	sbarrier.arrive $0xFFFF  }
0x43: {  	[sflag:s0] =	ssyncadd.tile.s32 @!p0 $0x1;
	_ =	shalt  }
.Lfunc_end2:
_tile_overlayer_lowered:
.L_overlay_start_2:
0x44: {  	(tag) =	ssettag $0x2  }
0x45: {  	s0 =	rddreg [dreg:$0x0];
	s2 =	stileid.u32  }
0x46: {  	s1 =	rddreg [dreg:$0x1];
	p0 =	sne.s32 s2, $0x0  }
0x47: {  	s3 =	rddreg [dreg:$0x2];
	[bflag:$0x3] =	sbarrier.arrive $0xFFFF;
	s2 =	simm.s32 @!p0 $0x1C01  }
0x48: {  	[timem:s3], [sflag:s2] =	dma.local @!p0 [hbm:s0], s1  }
0x49: {  	s0 =	simm.s32 @!p0 $0x1  }
0x4a: {  	_ =	swait.ge @!p0 [sflag:s0], s1  }
0x4b: {  	s1 =	ssub.s32 @!p0 $0x0, s1;
	[sflag:s0] =	ssyncset.done @!p0 $0x0  }
0x4c: {  	[sflag:s0] =	ssyncadd.s32 @!p0 s1  }
0x4d: {  	[bflag:$0x3] =	sbarrier.arrive $0xFFFF  }
0x4e: {  	_ =	shalt  }

// kernel: gather_offload_async_start
scs
__scs_entry_jumppad:
0x0: {  	(pc) =	sbr.rel $0x88, $3  }
0x1: {  	(tag) =	ssettag $0x0;
	lr =	simm.s32 $0x1  }
0x2: {  	[smem:$0x3F9E] =	sst lr;
	_ =	strace $0xD0000000  }
0x3: {  	_ = 	snop  }
0x4: {  	_ = 	snop  }
0x5: {  	_ = 	snop  }
0x6: {  	_ = 	snop  }
0x7: {  	_ = 	snop  }
__scs_overlays_trampoline_lowered:
0x8: {  	[smem:$0x3FAD] =	sst s0  }
0x9: {  	[smem:$0x3FAE] =	sst s1  }
0xa: {  	[smem:$0x3FAF] =	sst s2  }
0xb: {  	[smem:$0x3FB0] =	sst s3  }
0xc: {  	[smem:$0x3FB1] =	sst s4  }
0xd: {  	[smem:$0x3FB2] =	sst s5  }
0xe: {  	[smem:$0x3FB3] =	sst s6  }
0xf: {  	[smem:$0x3FB4] =	sst s7  }
0x10: {  	[smem:$0x3FB5] =	sst s8  }
0x11: {  	[smem:$0x3FB6] =	sst s9;
	s0 =	simm.s32 @!p0 $0x0  }
0x12: {  	s1 =	sld [smem:$0x3F9C];
	s0 =	simm.s32 @p0 $0x1  }
0x13: {  	[smem:$0x3FB7] =	sst s0;
	s0 =	simm.s32 @!p1 $0x0  }
0x14: {  	s2 =	sld [smem:$0x3F9B];
	s0 =	simm.s32 @p1 $0x1  }
0x15: {  	[smem:$0x3FB8] =	sst s0;
	s0 =	simm.s32 @!p2 $0x0  }
0x16: {  	s3 =	sld [smem:$0x3FDB];
	s0 =	simm.s32 @p2 $0x1  }
0x17: {  	s4 =	simm.s32 $0x1BF5;
	[smem:$0x3FBA] =	sst s0  }
0x18: {  	s0 =	sld [smem:$0x3F9D];
	_ =	swait.ge [sflag:s4], $0x0  }
0x19: {  	s7 =	sld [smem:$0x3F9E]  }
0x1a: {  	s8 =	sadd.s32 $0xFFFFE003, lr  }
0x1b: {  	s9 =	sadd.s32 $0xFFFFFEF7, lr;
	s5 =	simm.s32 $0xFFFFFFFF;
	p2 =	slt.u32 s8, $0xFFFFF086  }
0x1c: {  	p1 =	slt.u32 s9, $0xF7A;
	s5 =	simm.s32 @!p2 $0x0  }
0x1d: {  	s5 =	simm.s32 @p1 $0x1;
	p0 =	seq.s32 s7, s2  }
0x1e: {  	s7 =	smul.u32 @!p0 $0xF7A, s2;
	p2 =	seq.s32 @!p0 s5, $0x0  }
0x1f: {  	s9 =	smul.u32 $0xF7A, s1;
	s8 =	simm.s32 @!p0 $0x1BF5;
	p2 =	por !p2, p0  }
0x20: {  	[sflag:s8] =	ssyncset.s32 @!p0 $0xFFFFF086;
	s6 =	sadd.s32 @!p0 s3, s7;
	s7 =	simm.s32 @!p0 $0x108  }
0x21: {  	s3 =	sadd.s32 s3, s9;
	s6 =	sadd.s32 @!p0 $0x88, s6;
	s7 =	simm.s32 @p2 $0x1082  }
0x22: {  	[simem:s7], [sflag:s8] =	dma.local @!p0 [hbm:s6], $0xF7A  }
0x23: {  	s9 =	sor.u32 $0xD0000000, s2;
	s6 =	simm.s32 $0x108;
	_ =	swait.ge @!p0 [sflag:s8], $0x0  }
0x24: {  	s3 =	sadd.s32 $0x88, s3;
	s6 =	simm.s32 @!p1 $0x1082;
	[sflag:s4] =	ssyncset.s32 $0xFFFFF086  }
0x25: {  	[simem:s6], [sflag:s4] =	dma.local [hbm:s3], $0xF7A  }
0x26: {  	[smem:$0x3F9E] =	sst s1;
	(tag) =	ssettag s2;
	_ =	strace s9  }
0x27: {  	s1 =	sld [smem:$0x3FAE]  }
0x28: {  	s2 =	sld [smem:$0x3FAF]  }
0x29: {  	s4 =	sld [smem:$0x3FB1]  }
0x2a: {  	p0 =	seq.s32 s5, $0x0;
	s5 =	sld [smem:$0x3FB2]  }
0x2b: {  	s6 =	sld [smem:$0x3FB3]  }
0x2c: {  	s7 =	sld [smem:$0x3FB4]  }
0x2d: {  	s3 =	simm.s32 $0x108;
	s8 =	sld [smem:$0x3FB5]  }
0x2e: {  	s3 =	simm.s32 @!p0 $0x1082;
	s9 =	sld [smem:$0x3FB6]  }
0x2f: {  	lr =	sadd.s32 s0, s3;
	s0 =	sld [smem:$0x3FAD]  }
0x30: {  	s3 =	sld [smem:$0x3FB0]  }
0x31: {  	[smem:$0x3FB9] =	sst s10  }
0x32: {  	s10 =	sld [smem:$0x3FB7];
	_ =	sdelay $0x3  }
0x33: {  	p0 =	seq.s32 s10, $0x1;
	s10 =	sld [smem:$0x3FB9];
	_ =	sdelay $0x3  }
0x34: {  	[smem:$0x3FB9] =	sst s10  }
0x35: {  	s10 =	sld [smem:$0x3FB8];
	_ =	sdelay $0x3  }
0x36: {  	p1 =	seq.s32 s10, $0x1;
	s10 =	sld [smem:$0x3FB9];
	_ =	sdelay $0x3  }
0x37: {  	[smem:$0x3FB9] =	sst s10  }
0x38: {  	s10 =	sld [smem:$0x3FBA]  }
0x39: {  	_ = 	snop;
	(pc) =	sbr.ind lr, $3  }
0x3a: {  	_ = 	snop  }
0x3b: {  	_ = 	snop  }
0x3c: {  	p2 =	seq.s32 s10, $0x1;
	s10 =	sld [smem:$0x3FB9]  }
0x3d: {  	_ =	shalt  }
0x3e: {  	_ =	shalt  }
0x3f: {  	_ =	shalt  }
0x40: {  	_ =	shalt  }
0x41: {  	_ =	shalt  }
0x42: {  	_ =	shalt  }
0x43: {  	_ =	shalt  }
0x44: {  	_ =	shalt  }
0x45: {  	_ =	shalt  }
0x46: {  	_ =	shalt  }
0x47: {  	_ =	shalt  }
0x48: {  	_ =	shalt  }
0x49: {  	_ =	shalt  }
0x4a: {  	_ =	shalt  }
0x4b: {  	_ =	shalt  }
0x4c: {  	_ =	shalt  }
0x4d: {  	_ =	shalt  }
0x4e: {  	_ =	shalt  }
0x4f: {  	_ =	shalt  }
0x50: {  	_ =	shalt  }
0x51: {  	_ =	shalt  }
0x52: {  	_ =	shalt  }
0x53: {  	_ =	shalt  }
0x54: {  	_ =	shalt  }
0x55: {  	_ =	shalt  }
0x56: {  	_ =	shalt  }
0x57: {  	_ =	shalt  }
0x58: {  	_ =	shalt  }
0x59: {  	_ =	shalt  }
0x5a: {  	_ =	shalt  }
0x5b: {  	_ =	shalt  }
0x5c: {  	_ =	shalt  }
0x5d: {  	_ =	shalt  }
0x5e: {  	_ =	shalt  }
0x5f: {  	_ =	shalt  }
0x60: {  	_ =	shalt  }
0x61: {  	_ =	shalt  }
0x62: {  	_ =	shalt  }
0x63: {  	_ =	shalt  }
0x64: {  	_ =	shalt  }
0x65: {  	_ =	shalt  }
0x66: {  	_ =	shalt  }
0x67: {  	_ =	shalt  }
0x68: {  	_ =	shalt  }
0x69: {  	_ =	shalt  }
0x6a: {  	_ =	shalt  }
0x6b: {  	_ =	shalt  }
0x6c: {  	_ =	shalt  }
0x6d: {  	_ =	shalt  }
0x6e: {  	_ =	shalt  }
0x6f: {  	_ =	shalt  }
0x70: {  	_ =	shalt  }
0x71: {  	_ =	shalt  }
0x72: {  	_ =	shalt  }
0x73: {  	_ =	shalt  }
0x74: {  	_ =	shalt  }
0x75: {  	_ =	shalt  }
0x76: {  	_ =	shalt  }
0x77: {  	_ =	shalt  }
0x78: {  	_ =	shalt  }
0x79: {  	_ =	shalt  }
0x7a: {  	_ =	shalt  }
0x7b: {  	_ =	shalt  }
0x7c: {  	_ =	shalt  }
0x7d: {  	_ =	shalt  }
0x7e: {  	_ =	shalt  }
0x7f: {  	_ =	shalt  }
0x80: {  	_ =	shalt  }
0x81: {  	_ =	shalt  }
0x82: {  	_ =	shalt  }
0x83: {  	_ =	shalt  }
0x84: {  	_ =	shalt  }
0x85: {  	_ =	shalt  }
0x86: {  	_ =	shalt  }
0x87: {  	_ =	shalt  }
.Lfunc_end0:
.L_simem_size_0:
called_computation_lowered:
.L_overlay_start_0:
0x88: {  	s2 =	sld [smem:$0x3FD9]  }
0x89: {  	s3 =	sld [smem:$0x3FFE];
	_ =	sdelay $0x1  }
0x8a: {  	s1 =	srdreg.scid  }
0x8b: {  	s0 =	sand.u32 $0x1, s1  }
0x8c: {  	s17 =	sshll.u32 s0, $0xA;
	s2 =	sadd.s32 s3, s2  }
0x8d: {  	s2 =	sadd.s32 s2, s17  }
0x8e: {  	[smem:$0x3FC5] =	sst s2  }
0x8f: {  	_ = 	snop  }
0x90: {  	s18 =	sld [smem:$0x3FC9];
	(tm) =	ssettm $0x1  }
0x91: {  	s19 =	sld [smem:$0x3FFB];
	_ =	sdelay $0x3  }
0x92: {  	_ =	strace s19  }
0x93: {  	s2 =	sld [smem:$0x3FFC];
	_ =	sdelay $0x3  }
0x94: {  	_ =	strace s2  }
0x95: {  	s2 =	sld [smem:$0x3FFD];
	_ =	sdelay $0x3  }
0x96: {  	_ =	strace s2  }
0x97: {  	_ =	strace $0x8FFFFFFF  }
0x98: {  	s20 =	sld [smem:$0x3FDB];
	_ =	sdelay $0x1  }
0x99: {  	s4 =	simm.s32 $_scs_section_size  }
0x9a: {  	s5 =	simm.s32 $_size__tile_overlayer_lowered;
	s6 =	simm.s32 $_tile_overlayer_lowered  }
0x9b: {  	s7 =	simm.s32 $0x1BFF;
	s21 =	sshll.u32 s6, $0x1;
	s4 =	sadd.s32 s4, s20  }
0x9c: {  	s22 =	simm.s32 $0x0;
	s5 =	sshll.u32 s5, $0x1;
	s6 =	sadd.s32 s21, s4  }
0x9d: {  	[timem:s22], [sflag:s7] =	dma.local [hbm:s6], s5  }
0x9e: {  	_ =	swait.ge [sflag:s7], s5  }
0x9f: {  	s5 =	ssub.s32 $0x0, s5;
	[sflag:s7] =	ssyncset.done $0x0  }
0xa0: {  	[sflag:s7] =	ssyncadd.s32 s5;
	_ =	sdelay $0x1  }
0xa1: {  	s23 =	simm.s32 $0x1B8B  }
0xa2: {  	_ =	swait.ge [sflag:s23], $0x1  }
0xa3: {  	[sflag:s23] =	ssyncset.done $0x0  }
0xa4: {  	[sflag:s23] =	ssyncadd.s32 $0xFFFFFFFF  }
0xa5: {  	s5 =	sld [smem:$0x0]  }
0xa6: {  	s6 =	sand.u32 $0xFFFFFFFE, s1  }
0xa7: {  	p0 =	sne.s32 s1, s6  }
0xa8: {  	s6 =	sshll.u32 @p0 s6, $0xE  }
0xa9: {  	s6 =	sadd.s32 @p0 $0x11B8D, s6;
	s7 =	sshll.u32 @p0 s5, $0x11  }
0xaa: {  	s6 =	sor.u32 @p0 s7, s6  }
0xab: {  	[sflag:s6] =	ssyncadd.remote.s32 @p0 $0x1;
	_ =	sdelay $0x1  }
0xac: {  	s6 =	simm.s32 @p0 $0x1B8D  }
0xad: {  	_ =	swait.eq @p0 [sflag:s6], $0x1  }
0xae: {  	[sflag:s6] =	ssyncadd.s32 @p0 $0xFFFFFFFF  }
0xaf: {  	s7 =	sshll.u32 @!p0 s1, $0xE  }
0xb0: {  	s7 =	sor.u32 @!p0 $0x4000, s7;
	s6 =	simm.s32 @!p0 $0x1B8D  }
0xb1: {  	s5 =	sshll.u32 @!p0 s5, $0x11;
	s7 =	sadd.s32 @!p0 $0x11B8D, s7;
	_ =	swait.eq @!p0 [sflag:s6], $0x1  }
0xb2: {  	s5 =	sor.u32 @!p0 s5, s7;
	[sflag:s6] =	ssyncadd.s32 @!p0 $0xFFFFFFFF  }
0xb3: {  	s25 =	simm.s32 $0x1B8E;
	s24 =	sld [smem:$0x3FFE];
	[sflag:s5] =	ssyncadd.remote.s32 @!p0 $0x1  }
0xb4: {  	s26 =	simm.s32 $execute0_lowered;
	[smem:$0x3FD2] =	sst s25  }
0xb5: {  	s6 =	sshll.u32 s26, $0x1;
	_ =	strace $0x8000004C;
	[dreg:$0x1] =	wrdreg $0xFFFFFFFF  }
0xb6: {  	s28 =	simm.s32 $_size_execute0_lowered;
	s4 =	sadd.s32 s4, s6;
	[dreg:$0x0] =	wrdreg $0x0  }
0xb7: {  	s6 =	sshll.u32 s28, $0x1;
	[dreg:$0x2] =	wrdreg s4  }
0xb8: {  	[dreg:$0x3] =	wrdreg s6  }
0xb9: {  	[dreg:$0x4] =	wrdreg $0xC0  }
0xba: {  	_ =	task [dreg:s22], $0x5FFFF  }
0xbb: {  	[dreg:$0x1] =	wrdreg $0xFFFFFFFF  }
0xbc: {  	[dreg:$0x0] =	wrdreg $0x60  }
0xbd: {  	[dreg:$0x2] =	wrdreg s18  }
0xbe: {  	[dreg:$0x3] =	wrdreg s24  }
0xbf: {  	[dreg:$0x4] =	wrdreg $0x9  }
0xc0: {  	_ =	task.clear_ibuf [dreg:s22], $0x5FFFF;
	_ =	strace $0x9000004C  }
0xc1: {  	s29 =	simm.s32 $0x9;
	_ =	strace $0x8000004E  }
0xc2: {  	_ =	swait.ge [sflag:s29], $0x1  }
0xc3: {  	[sflag:s29] =	ssyncadd.s32 $0xFFFFFFFF  }
0xc4: {  	_ =	strace $0x9000004E  }
0xc5: {  	_ =	sfence  }
0xc6: {  	s30 =	sld [smem:$0x0];
	_ =	sdelay $0x2  }
0xc7: {  	s31 =	sshll.u32 s1, $0xD;
	s1 =	sshrl.u32 s1, $0x2  }
0xc8: {  	s4 =	sand.u32 $0x4000, s31;
	s1 =	sadd.s32 s1, s30  }
0xc9: {  	s0 =	sor.u32 s4, s0;
	s1 =	sshll.u32 s1, $0x11  }
0xca: {  	s0 =	sor.u32 s1, s0  }
0xcb: {  	s0 =	sadd.s32 $0x8F2B, s0  }
0xcc: {  	[sflag:s0] =	ssyncadd.remote.s32 $0x1  }
0xcd: {  	_ =	sfence.sel $0xFFFF  }
0xce: {  	[dreg:$0x0] =	wrdreg $0xFFFFFFFF;
	(pc) =	sbr.abs _section_cstart, $3  }
0xcf: {  	[dreg:$0x1] =	wrdreg $0xFFFFFFFF  }
0xd0: {  	_ =	task.clear_ibuf [dreg:s22], $0x2FFFF;
	_ =	strace $0x9FFFFFFF  }
0xd1: {  	(tm) =	ssettm $0x7FFFFFFF  }
tec
execute0_lowered:
.L_overlay_start_1:
0x0: {  	(tag) =	ssettag $0x1  }
0x1: {  	s2 =	rddreg [dreg:$0x0]  }
0x2: {  	s7 =	rddreg [dreg:$0x1]  }
0x3: {  	s0 =	rddreg [dreg:$0x2]  }
0x4: {  	s1 =	srdreg.scid;
	_ =	strace $0x8000004D;
	s4 =	simm.s32 $0x1  }
0x5: {  	s9 =	simm.s32 $0x3;
	s12 =	simm.s32 $0x0;
	s5 =	sshll.u32 s1, $0x4  }
.Ltmp0:
0x6: {  	s1 =	stileid.u32;
	s5 =	sand.u32 $0x10, s5;
	(pc) =	sbr.rel .LBB2_1-.Ltmp0, $4  }
0x7: {  	s10 =	simm.s32 $0x0;
	s3 =	sadd.s32 $0x600, s7;
	s6 =	sor.u32 s1, s5  }
0x8: {  	[sflag:s4] =	ssyncpa.u1 $0x0;
	s5 =	simm.s32 $0x2;
	s6 =	sshll.u32 s6, $0x7  }
0x9: {  	s7 =	sadd.s32 $0xC00, s7;
	[sflag:s5] =	ssyncpa.u1 $0x0;
	s8 =	sadd.s32 $0x80, s6  }
0xa: {  	vm0 =	vmmov $0xff;
	vm1 =	vcmask $0x3F20;
	[sflag:s9] =	ssyncpa.u1 $0x0;
	s9 =	simm.s32 $0x80;
	s11 =	smov.u32 s6  }
.LBB2_9:
0xb: {  	p0 =	seq.s32 s10, $0x2  }
.Ltmp1:
0xc: {  	_ = 	snop;
	(pc) =	sbr.rel @p0 .LBB2_11-.Ltmp1, $1  }
0xd: {  	_ =	sdelay $0x3  }
.LBB2_10:
0xe: {  	s12 =	sadd.s32 $0x80, s11  }
0xf: {  	s13 =	smov.u32 s6;
	p0 =	slt.s32 s12, s8  }
0x10: {  	s13 =	smov.u32 @p0 s12  }
0x11: {  	s10 =	sadd.s32 $0x1, s10;
	s12 =	smov.u32 s11;
	s11 =	smov.u32 s13  }
.LBB2_1:
0x12: {  	p0 =	sne.s32 s10, $0x0  }
.Ltmp2:
0x13: {  	_ = 	snop;
	(pc) =	sbr.rel @!p0 .LBB2_2-.Ltmp2, $1  }
0x14: {  	_ =	sdelay $0x3  }
0x15: {  	s13 =	sand.u32 $0x1, s10  }
0x16: {  	p0 =	seq.s32 s13, $0x0  }
.Ltmp3:
0x17: {  	_ = 	snop;
	(pc) =	sbr.rel @p0 .LBB2_9-.Ltmp3, $1  }
0x18: {  	_ =	sdelay $0x3  }
0x19: {  	_ =	swait.ge [sflag:s5], $0x80  }
0x1a: {  	[sflag:s5] =	ssyncset.done $0x0  }
0x1b: {  	s13 =	simm.s32 $0x0;
	[sflag:s5] =	ssyncadd.s32 $0xFFFFFF80  }
0x1c: {  	v0 =	vld.msk [tilespmem:s13+$0x80 ss:$0x1], $0xffff;
	_ =	sdelay $0x4  }
0x1d: {  	vm2 =	vgt.s32 v0, $0x0  }
0x1e: {  	v0 =	vnsel vm2, $0x0, v0  }
0x1f: {  	v0 =	vmin.u32 v0, $0xFFF  }
0x20: {  	v0 =	vshll.u32 v0, $0x4;
	_ =	sdelay $0x3  }
0x21: {  	s13 =	simm.s32 $0x4100  }
0x22: {  	[tilespmem:s13], [sflag:$0x1] =	stream.indirect_vreg.gather [hbm:s2], $0x80, v0, vm0, $0x38;
	[tilespmem:$0x8100] =	vst v63  }
0x23: {  	s14 =	simm.s32 $0x4500;
	s31 =	simm.s32 $0x10  }
0x24: {  	[tilespmem:s14], [sflag:$0x1] =	stream.indirect_vreg.gather [hbm:s2], $0x80, v0, vm1, $0x38;
	[tilespmem:$0x8100] =	vst v63  }
0x25: {  	s14 =	simm.s32 $0x80;
	v0 =	vld.msk [tilespmem:s31+$0x80 ss:$0x1], $0xffff  }
.LBB2_5:
0x26: {  	p0 =	sne.s32 s14, $0x1C0;
	_ =	sdelay $0x4  }
0x27: {  	vm2 =	vgt.s32 v0, $0x0  }
0x28: {  	v0 =	vnsel vm2, $0x0, v0  }
0x29: {  	v0 =	vmin.u32 v0, $0xFFF  }
0x2a: {  	v0 =	vshll.u32 v0, $0x4;
	_ =	sdelay $0x3  }
.Ltmp4:
0x2b: {  	s13 =	sadd.s32 $0x800, s13;
	(pc) =	sbr.rel @p0 .LBB2_5-.Ltmp4, $4  }
0x2c: {  	[tilespmem:s13], [sflag:$0x1] =	stream.indirect_vreg.gather [hbm:s2], $0x80, v0, vm0, $0x38;
	[tilespmem:$0x8100] =	vst v63  }
0x2d: {  	s15 =	sshra.s32 s14, $0x2;
	s16 =	sadd.s32 $0x400, s13  }
0x2e: {  	[tilespmem:s16], [sflag:$0x1] =	stream.indirect_vreg.gather [hbm:s2], $0x80, v0, vm1, $0x38;
	[tilespmem:$0x8100] =	vst v63  }
0x2f: {  	s14 =	sadd.s32 $0x40, s14;
	v0 =	vld.msk [tilespmem:s15+$0x80 ss:$0x1], $0xffff  }
0x30: {  	_ =	sdelay $0x3  }
0x31: {  	vm2 =	vgt.s32 v0, $0x0  }
0x32: {  	v0 =	vnsel vm2, $0x0, v0  }
0x33: {  	v0 =	vmin.u32 v0, $0xFFF  }
0x34: {  	v0 =	vshll.u32 v0, $0x4;
	_ =	sdelay $0x3  }
0x35: {  	s13 =	sadd.s32 $0x800, s13  }
0x36: {  	[tilespmem:s13], [sflag:$0x1] =	stream.indirect_vreg.gather [hbm:s2], $0x80, v0, vm0, $0x38;
	[tilespmem:$0x8100] =	vst v63  }
0x37: {  	s13 =	sadd.s32 $0x400, s13  }
0x38: {  	[tilespmem:s13], [sflag:$0x1] =	stream.indirect_vreg.gather [hbm:s2], $0x80, v0, vm1, $0x38;
	[tilespmem:$0x8100] =	vst v63  }
0x39: {  	s12 =	sshll.u32 s12, $0x4;
	s14 =	simm.s32 $0x80;
	_ =	swait.ge [sflag:s4], $0x4000  }
0x3a: {  	s15 =	simm.s32 $0x4500;
	s12 =	sadd.s32 s12, s7;
	[sflag:s4] =	ssyncset.done $0x0  }
0x3b: {  	s16 =	sadd.s32 $0x0, s12;
	s13 =	simm.s32 $0x4100;
	[sflag:s4] =	ssyncadd.s32 $0xFFFFC000  }
.LBB2_7:
0x3c: {  	[hbm:s16] =	stream.linear.scatter [tilespmem:s13], [sflag:$0x3], $0x400, $0x38;
	[tilespmem:$0x8100] =	vst v63  }
0x3d: {  	s16 =	smov.u32 s14;
	s13 =	smov.u32 s15;
	p0 =	sne.s32 s14, $0x780  }
.Ltmp5:
0x3e: {  	s14 =	sadd.s32 $0x80, s14;
	(pc) =	sbr.rel @p0 .LBB2_7-.Ltmp5, $2  }
0x3f: {  	_ =	sdelay $0x2  }
0x40: {  	s15 =	sadd.s32 $0x400, s15;
	s16 =	sadd.s32 s16, s12  }
.Ltmp6:
0x41: {  	(pc) =	sbr.rel .LBB2_9-.Ltmp6, $2  }
0x42: {  	_ =	sdelay $0x2  }
0x43: {  	[hbm:s16] =	stream.linear.scatter [tilespmem:s13], [sflag:$0x3], $0x400, $0x38;
	[tilespmem:$0x8100] =	vst v63  }
.LBB2_2:
.Ltmp7:
0x44: {  	(pc) =	sbr.rel .LBB2_10-.Ltmp7, $4  }
0x45: {  	_ = 	snop  }
0x46: {  	s12 =	sshrl.u32 s11, $0x3  }
0x47: {  	s13 =	sand.u32 $0x7, s11;
	s12 =	sadd.s32 s3, s12  }
0x48: {  	[tilespmem:s9], [sflag:$0x2] =	stream.linear.gather [hbm4b:s12+s13], $0x80, $0x38;
	[tilespmem:$0x8100] =	vst v63  }
.LBB2_11:
0x49: {  	s2 =	simm.s32 $0x3  }
0x4a: {  	_ =	swait.ge [sflag:s2], $0x4000  }
0x4b: {  	[sflag:s2] =	ssyncset.done $0x0  }
0x4c: {  	[sflag:s2] =	ssyncadd.s32 $0xFFFFC000  }
0x4d: {  	_ =	sfence.sel $0x180000  }
0x4e: {  	s3 =	simm.s32 $0x2;
	[bflag:$0x0] =	sbarrier.arrive $0xFFFF  }
0x4f: {  	[sflag:s3] =	ssyncpa.u1 $0x1  }
0x50: {  	s31 =	simm.s32 $0x1;
	[sflag:s2] =	ssyncpa.u1 $0x1  }
0x51: {  	[sflag:s31] =	ssyncpa.u1 $0x1  }
0x52: {  	p0 =	sne.s32 s1, $0x0;
	_ =	strace $0x9000004D  }
0x53: {  	s0 =	sadd.s32 @!p0 $0x100000, s0;
	[bflag:$0x2] =	sbarrier.arrive $0xFFFF  }
0x54: {  	[sflag:s0] =	ssyncadd.tile.s32 @!p0 $0x1;
	_ =	shalt  }
.Lfunc_end2:
_tile_overlayer_lowered:
.L_overlay_start_2:
0x55: {  	(tag) =	ssettag $0x2  }
0x56: {  	s0 =	rddreg [dreg:$0x0];
	s2 =	stileid.u32  }
0x57: {  	s1 =	rddreg [dreg:$0x1];
	p0 =	sne.s32 s2, $0x0  }
0x58: {  	s3 =	rddreg [dreg:$0x2];
	[bflag:$0x3] =	sbarrier.arrive $0xFFFF;
	s2 =	simm.s32 @!p0 $0x1C01  }
0x59: {  	[timem:s3], [sflag:s2] =	dma.local @!p0 [hbm:s0], s1  }
0x5a: {  	s0 =	simm.s32 @!p0 $0x1  }
0x5b: {  	_ =	swait.ge @!p0 [sflag:s0], s1  }
0x5c: {  	s1 =	ssub.s32 @!p0 $0x0, s1;
	[sflag:s0] =	ssyncset.done @!p0 $0x0  }
0x5d: {  	[sflag:s0] =	ssyncadd.s32 @!p0 s1  }
0x5e: {  	[bflag:$0x3] =	sbarrier.arrive $0xFFFF  }
0x5f: {  	_ =	shalt  }

</sc_bundles>
